<compile_context>
chip_gen: v7x
topology: tpu7x:2x2x1
jax: 0.10.2.dev20260603
libtpu: 0.0.44.dev20260713+nightly
codegen_flags: <defaults>
</compile_context>

<pallas_src>
import functools

import jax
import jax.numpy as jnp
from jax.experimental import pallas as pl
from jax.experimental.pallas import tpu as pltpu

_PAD = 16


def _dma_body(scal_ref, cache_hbm, act_hbm, patch_hbm, out_hbm, sem, *, M, B):
    idx = scal_ref[0]
    delta = scal_ref[1]
    l1 = scal_ref[2]

    def seg_plan(s, e, src_at_s):
        s8 = ((s + 7) // 8) * 8
        e8 = (e // 8) * 8
        n = jnp.maximum(e8 - s8, 0)
        return s8, src_at_s + (s8 - s), n

    plans = [
        seg_plan(idx, idx + l1, _PAD + delta),
        seg_plan(0, B - l1, _PAD + delta + l1),
    ]

    def seg_emit(do_start):
        for s8, src0, n in plans:
            cur_d, cur_s, rem = s8, src0, n
            for bit in reversed(range(12)):
                sz = 8 << bit
                take = rem >= sz

                @pl.when(take)
                def _(cur_d=cur_d, cur_s=cur_s, sz=sz):
                    cp = pltpu.make_async_copy(
                        act_hbm.at[pl.ds(pl.multiple_of(cur_s, 8), sz)],
                        out_hbm.at[pl.ds(pl.multiple_of(cur_d, 8), sz)],
                        sem,
                    )
                    cp.start() if do_start else cp.wait()

                step = jnp.where(take, sz, 0)
                cur_d, cur_s, rem = cur_d + step, cur_s + step, rem - step

    seg_emit(True)
    patch_cps = [
        pltpu.make_async_copy(
            patch_hbm.at[pl.ds(8 * k, 8)],
            out_hbm.at[pl.ds(pl.multiple_of(scal_ref[4 + k], 8), 8)],
            sem,
        )
        for k in range(4)
    ]
    for cp in patch_cps:
        cp.start()
    seg_emit(False)
    for cp in patch_cps:
        cp.wait()


def kernel(activations, cache, n_valid, index):
    M, N = cache.shape
    B = activations.shape[0]

    idx = jnp.asarray(index, jnp.int32) % M
    act16 = jax.lax.bitcast_convert_type(activations.astype(cache.dtype), jnp.int16)
    cache_u = jax.lax.bitcast_convert_type(cache, jnp.int16)
    delta = idx % 8
    L = B + 3 * _PAD
    act_pad = jax.lax.dynamic_update_slice(
        jnp.zeros((L, N), jnp.int16), act16, (_PAD + delta, 0)
    )

    l1 = jnp.minimum(B, M - idx)
    e2 = (idx + B) % M
    d0s = jnp.stack(
        [
            (idx // 8) * 8,
            jnp.minimum(((idx + l1) // 8) * 8, M - 8),
            jnp.zeros((), jnp.int32),
            jnp.minimum((e2 // 8) * 8, M - 8),
        ]
    )

    def patch(d0):
        pv = jax.lax.dynamic_slice(cache_u, (d0, 0), (8, N))
        base = _PAD + delta + d0 - idx + jnp.where(d0 + 7 < idx, M, 0)
        av = jax.lax.dynamic_slice(
            act_pad, (jnp.clip(base, 0, L - 8), 0), (8, N)
        )
        offw = (d0 + jnp.arange(8, dtype=jnp.int32) - idx) % M
        return jnp.where((offw < B)[:, None], av, pv)

    patches = jnp.concatenate([patch(d0s[k]) for k in range(4)], axis=0)

    scal = jnp.stack([idx, delta, l1, e2, d0s[0], d0s[1], d0s[2], d0s[3]])

    grid_spec = pltpu.PrefetchScalarGridSpec(
        num_scalar_prefetch=1,
        grid=(1,),
        in_specs=[
            pl.BlockSpec(memory_space=pltpu.MemorySpace.HBM),
            pl.BlockSpec(memory_space=pltpu.MemorySpace.HBM),
            pl.BlockSpec(memory_space=pltpu.MemorySpace.HBM),
        ],
        out_specs=pl.BlockSpec(memory_space=pltpu.MemorySpace.HBM),
        scratch_shapes=[pltpu.SemaphoreType.DMA],
    )
    out_u = pl.pallas_call(
        functools.partial(_dma_body, M=M, B=B),
        grid_spec=grid_spec,
        out_shape=jax.ShapeDtypeStruct((M, N), jnp.int16),
        input_output_aliases={1: 0},
    )(scal, cache_u, act_pad, patches)

    new_cache = jax.lax.bitcast_convert_type(out_u, cache.dtype)
    new_n_valid = jnp.minimum(jnp.asarray(n_valid) + B, M)
    new_index = (jnp.asarray(index) + B) % M
    return (new_cache, new_n_valid, new_index)

# --- scband reference (transcript-rebuilt; emitter-appended) ---
"""Pipeline reference for scband-activation-buffer-25520695673050 (READ-ONLY COPY).

The authoritative reference and input builder live on the scoring server;
editing this copy changes nothing except your own understanding.
"""

import jax, jax.numpy as jnp
import numpy as np

MAX_SAMPLES = 1000000
N_DIM = 64
BATCH = 16384

def setup_inputs(seed: int = 0) -> dict:
    key = jax.random.key(seed)
    k1 = jax.random.fold_in(key, 1)
    activations = jax.random.normal(k1, (BATCH, N_DIM), dtype=jnp.float32)
    cache = jnp.zeros((MAX_SAMPLES, N_DIM), dtype=jnp.float16)
    return {
        "activations": activations,
        "cache": cache,
        "n_valid": 500000,
        "index": 999990,
    }

def reference(activations, cache, n_valid, index):
    # Faithful port of ActivationBuffer.__call__: circular scatter-overwrite
    max_samples = cache.shape[0]
    batch = activations.shape[0]
    offsets = jnp.arange(batch)
    new_n_valid = jnp.minimum(jnp.asarray(n_valid) + batch, max_samples)
    indices = (jnp.asarray(index) + offsets) % max_samples
    new_index = (jnp.asarray(index) + batch) % max_samples
    new_cache = cache.at[indices].set(activations.astype(cache.dtype))
    return (new_cache, new_n_valid, new_index)

if __name__ == "__main__":
    import jax
    _d = setup_inputs()
    print(jax.jit(kernel)(*tuple(_d.values())))

</pallas_src>

<mosaic_0001>
module attributes {stable_mosaic.version = 14 : i64} {
  func.func @_dma_body(%arg0: i32, %arg1: memref<8xi32, #tpu.memory_space<smem>>, %arg2: memref<1000000x64xi16, #tpu.memory_space<hbm>>, %arg3: memref<16432x64xi16, #tpu.memory_space<hbm>>, %arg4: memref<32x64xi16, #tpu.memory_space<hbm>>, %arg5: memref<1000000x64xi16, #tpu.memory_space<hbm>>, %arg6: memref<!tpu.dma_semaphore, #tpu.memory_space<semaphore_mem>>) attributes {dimension_semantics = [#tpu.dimension_semantics<arbitrary>], iteration_bounds = array<i64: 1>, scalar_prefetch = 1 : i64, scratch_operands = 1 : i64, tpu.core_type = #tpu.core_type<tc>, window_params = [{}, {}, {}, {}]} {
    %get3A = arith.constant 0 : index
    %get3A_0 = memref.load %arg1[%get3A] : memref<8xi32, #tpu.memory_space<smem>>
    %get3A_1 = arith.constant 1 : index
    %get3A_2 = memref.load %arg1[%get3A_1] : memref<8xi32, #tpu.memory_space<smem>>
    %get3A_3 = arith.constant 2 : index
    %get3A_4 = memref.load %arg1[%get3A_3] : memref<8xi32, #tpu.memory_space<smem>>
    %add3A = arith.addi %get3A_0, %get3A_4 : i32
    %add3A_5 = arith.constant 16 : i32
    %add3A_6 = arith.addi %add3A_5, %get3A_2 : i32
    %add3A_7 = arith.constant 7 : i32
    %add3A_8 = arith.addi %get3A_0, %add3A_7 : i32
    %jit3A = arith.constant 8 : i32
    %div3A = arith.divsi %add3A_8, %jit3A : i32
    %sign3A = arith.constant 0 : i32
    %sign3A_9 = arith.cmpi sgt, %add3A_8, %sign3A : i32
    %sign3A_10 = arith.extui %sign3A_9 : i1 to i32
    %sign3A_11 = arith.constant 0 : i32
    %sign3A_12 = arith.cmpi slt, %add3A_8, %sign3A_11 : i32
    %sign3A_13 = arith.extui %sign3A_12 : i1 to i32
    %sign3A_14 = arith.subi %sign3A_10, %sign3A_13 : i32
    %sign3A_15 = arith.constant 0 : i32
    %sign3A_16 = arith.cmpi sgt, %jit3A, %sign3A_15 : i32
    %sign3A_17 = arith.extui %sign3A_16 : i1 to i32
    %sign3A_18 = arith.constant 0 : i32
    %sign3A_19 = arith.cmpi slt, %jit3A, %sign3A_18 : i32
    %sign3A_20 = arith.extui %sign3A_19 : i1 to i32
    %sign3A_21 = arith.subi %sign3A_17, %sign3A_20 : i32
    %ne3A = arith.cmpi ne, %sign3A_14, %sign3A_21 : i32
    %rem3A = arith.remsi %add3A_8, %jit3A : i32
    %ne3A_22 = arith.constant 0 : i32
    %ne3A_23 = arith.cmpi ne, %rem3A, %ne3A_22 : i32
    %and3A = arith.andi %ne3A, %ne3A_23 : i1
    %sub3A = arith.constant 1 : i32
    %sub3A_24 = arith.subi %div3A, %sub3A : i32
    %select_n3A = arith.select %and3A, %sub3A_24, %div3A : i32
    %mul3A = arith.constant 8 : i32
    %mul3A_25 = arith.muli %select_n3A, %mul3A : i32
    %jit3A_26 = arith.constant 8 : i32
    %div3A_27 = arith.divsi %add3A, %jit3A_26 : i32
    %sign3A_28 = arith.constant 0 : i32
    %sign3A_29 = arith.cmpi sgt, %add3A, %sign3A_28 : i32
    %sign3A_30 = arith.extui %sign3A_29 : i1 to i32
    %sign3A_31 = arith.constant 0 : i32
    %sign3A_32 = arith.cmpi slt, %add3A, %sign3A_31 : i32
    %sign3A_33 = arith.extui %sign3A_32 : i1 to i32
    %sign3A_34 = arith.subi %sign3A_30, %sign3A_33 : i32
    %sign3A_35 = arith.constant 0 : i32
    %sign3A_36 = arith.cmpi sgt, %jit3A_26, %sign3A_35 : i32
    %sign3A_37 = arith.extui %sign3A_36 : i1 to i32
    %sign3A_38 = arith.constant 0 : i32
    %sign3A_39 = arith.cmpi slt, %jit3A_26, %sign3A_38 : i32
    %sign3A_40 = arith.extui %sign3A_39 : i1 to i32
    %sign3A_41 = arith.subi %sign3A_37, %sign3A_40 : i32
    %ne3A_42 = arith.cmpi ne, %sign3A_34, %sign3A_41 : i32
    %rem3A_43 = arith.remsi %add3A, %jit3A_26 : i32
    %ne3A_44 = arith.constant 0 : i32
    %ne3A_45 = arith.cmpi ne, %rem3A_43, %ne3A_44 : i32
    %and3A_46 = arith.andi %ne3A_42, %ne3A_45 : i1
    %sub3A_47 = arith.constant 1 : i32
    %sub3A_48 = arith.subi %div3A_27, %sub3A_47 : i32
    %select_n3A_49 = arith.select %and3A_46, %sub3A_48, %div3A_27 : i32
    %mul3A_50 = arith.constant 8 : i32
    %mul3A_51 = arith.muli %select_n3A_49, %mul3A_50 : i32
    %sub3A_52 = arith.subi %mul3A_51, %mul3A_25 : i32
    %max3A = arith.constant 0 : i32
    %max3A_53 = arith.maxsi %sub3A_52, %max3A : i32
    %sub3A_54 = arith.subi %mul3A_25, %get3A_0 : i32
    %add3A_55 = arith.addi %add3A_6, %sub3A_54 : i32
    %sub3A_56 = arith.constant 16384 : i32
    %sub3A_57 = arith.subi %sub3A_56, %get3A_4 : i32
    %add3A_58 = arith.constant 16 : i32
    %add3A_59 = arith.addi %add3A_58, %get3A_2 : i32
    %add3A_60 = arith.addi %add3A_59, %get3A_4 : i32
    %jit3A_61 = arith.constant 8 : i32
    %div3A_62 = arith.divsi %sub3A_57, %jit3A_61 : i32
    %sign3A_63 = arith.constant 0 : i32
    %sign3A_64 = arith.cmpi sgt, %sub3A_57, %sign3A_63 : i32
    %sign3A_65 = arith.extui %sign3A_64 : i1 to i32
    %sign3A_66 = arith.constant 0 : i32
    %sign3A_67 = arith.cmpi slt, %sub3A_57, %sign3A_66 : i32
    %sign3A_68 = arith.extui %sign3A_67 : i1 to i32
    %sign3A_69 = arith.subi %sign3A_65, %sign3A_68 : i32
    %sign3A_70 = arith.constant 0 : i32
    %sign3A_71 = arith.cmpi sgt, %jit3A_61, %sign3A_70 : i32
    %sign3A_72 = arith.extui %sign3A_71 : i1 to i32
    %sign3A_73 = arith.constant 0 : i32
    %sign3A_74 = arith.cmpi slt, %jit3A_61, %sign3A_73 : i32
    %sign3A_75 = arith.extui %sign3A_74 : i1 to i32
    %sign3A_76 = arith.subi %sign3A_72, %sign3A_75 : i32
    %ne3A_77 = arith.cmpi ne, %sign3A_69, %sign3A_76 : i32
    %rem3A_78 = arith.remsi %sub3A_57, %jit3A_61 : i32
    %ne3A_79 = arith.constant 0 : i32
    %ne3A_80 = arith.cmpi ne, %rem3A_78, %ne3A_79 : i32
    %and3A_81 = arith.andi %ne3A_77, %ne3A_80 : i1
    %sub3A_82 = arith.constant 1 : i32
    %sub3A_83 = arith.subi %div3A_62, %sub3A_82 : i32
    %select_n3A_84 = arith.select %and3A_81, %sub3A_83, %div3A_62 : i32
    %mul3A_85 = arith.constant 8 : i32
    %mul3A_86 = arith.muli %select_n3A_84, %mul3A_85 : i32
    %sub3A_87 = arith.constant 0 : i32
    %sub3A_88 = arith.subi %mul3A_86, %sub3A_87 : i32
    %max3A_89 = arith.constant 0 : i32
    %max3A_90 = arith.maxsi %sub3A_88, %max3A_89 : i32
    %add3A_91 = arith.constant 0 : i32
    %add3A_92 = arith.addi %add3A_60, %add3A_91 : i32
    %ge3A = arith.constant 16384 : i32
    %ge3A_93 = arith.cmpi sge, %max3A_53, %ge3A : i32
    %convert_element_type3A = arith.extui %ge3A_93 : i1 to i32
    %cond3A = arith.constant 0 : i32
    %cond3A_94 = arith.cmpi ne, %convert_element_type3A, %cond3A : i32
    scf.if %cond3A_94 {
      %multiple_of3A_645 = tpu.assume_multiple %add3A_55, 8 : i32
      %multiple_of3A_646 = tpu.assume_multiple %mul3A_25, 8 : i32
      %dma_start3A_647 = arith.constant 0 : i32
      %dma_start3A_648 = tpu.memref_slice %arg5[%multiple_of3A_646, %dma_start3A_647] : memref<1000000x64xi16, #tpu.memory_space<hbm>> -> memref<16384x64xi16, #tpu.memory_space<hbm>>
      %dma_start3A_649 = arith.constant 0 : i32
      %dma_start3A_650 = tpu.memref_slice %arg3[%multiple_of3A_645, %dma_start3A_649] : memref<16432x64xi16, #tpu.memory_space<hbm>> -> memref<16384x64xi16, #tpu.memory_space<hbm>>
      tpu.enqueue_dma source(%dma_start3A_650 : memref<16384x64xi16, #tpu.memory_space<hbm>>) target(%dma_start3A_648 : memref<16384x64xi16, #tpu.memory_space<hbm>>) target_semaphore(%arg6 : memref<!tpu.dma_semaphore, #tpu.memory_space<semaphore_mem>>)
    } else {
    }
    %jit3A_95 = arith.constant 16384 : i32
    %jit3A_96 = arith.constant 0 : i32
    %select_n3A_97 = arith.select %ge3A_93, %jit3A_95, %jit3A_96 : i32
    %add3A_98 = arith.addi %mul3A_25, %select_n3A_97 : i32
    %add3A_99 = arith.addi %add3A_55, %select_n3A_97 : i32
    %sub3A_100 = arith.subi %max3A_53, %select_n3A_97 : i32
    %ge3A_101 = arith.constant 8192 : i32
    %ge3A_102 = arith.cmpi sge, %sub3A_100, %ge3A_101 : i32
    %convert_element_type3A_103 = arith.extui %ge3A_102 : i1 to i32
    %cond3A_104 = arith.constant 0 : i32
    %cond3A_105 = arith.cmpi ne, %convert_element_type3A_103, %cond3A_104 : i32
    scf.if %cond3A_105 {
      %multiple_of3A_645 = tpu.assume_multiple %add3A_99, 8 : i32
      %multiple_of3A_646 = tpu.assume_multiple %add3A_98, 8 : i32
      %dma_start3A_647 = arith.constant 0 : i32
      %dma_start3A_648 = tpu.memref_slice %arg5[%multiple_of3A_646, %dma_start3A_647] : memref<1000000x64xi16, #tpu.memory_space<hbm>> -> memref<8192x64xi16, #tpu.memory_space<hbm>>
      %dma_start3A_649 = arith.constant 0 : i32
      %dma_start3A_650 = tpu.memref_slice %arg3[%multiple_of3A_645, %dma_start3A_649] : memref<16432x64xi16, #tpu.memory_space<hbm>> -> memref<8192x64xi16, #tpu.memory_space<hbm>>
      tpu.enqueue_dma source(%dma_start3A_650 : memref<8192x64xi16, #tpu.memory_space<hbm>>) target(%dma_start3A_648 : memref<8192x64xi16, #tpu.memory_space<hbm>>) target_semaphore(%arg6 : memref<!tpu.dma_semaphore, #tpu.memory_space<semaphore_mem>>)
    } else {
    }
    %jit3A_106 = arith.constant 8192 : i32
    %jit3A_107 = arith.constant 0 : i32
    %select_n3A_108 = arith.select %ge3A_102, %jit3A_106, %jit3A_107 : i32
    %add3A_109 = arith.addi %add3A_98, %select_n3A_108 : i32
    %add3A_110 = arith.addi %add3A_99, %select_n3A_108 : i32
    %sub3A_111 = arith.subi %sub3A_100, %select_n3A_108 : i32
    %ge3A_112 = arith.constant 4096 : i32
    %ge3A_113 = arith.cmpi sge, %sub3A_111, %ge3A_112 : i32
    %convert_element_type3A_114 = arith.extui %ge3A_113 : i1 to i32
    %cond3A_115 = arith.constant 0 : i32
    %cond3A_116 = arith.cmpi ne, %convert_element_type3A_114, %cond3A_115 : i32
    scf.if %cond3A_116 {
      %multiple_of3A_645 = tpu.assume_multiple %add3A_110, 8 : i32
      %multiple_of3A_646 = tpu.assume_multiple %add3A_109, 8 : i32
      %dma_start3A_647 = arith.constant 0 : i32
      %dma_start3A_648 = tpu.memref_slice %arg5[%multiple_of3A_646, %dma_start3A_647] : memref<1000000x64xi16, #tpu.memory_space<hbm>> -> memref<4096x64xi16, #tpu.memory_space<hbm>>
      %dma_start3A_649 = arith.constant 0 : i32
      %dma_start3A_650 = tpu.memref_slice %arg3[%multiple_of3A_645, %dma_start3A_649] : memref<16432x64xi16, #tpu.memory_space<hbm>> -> memref<4096x64xi16, #tpu.memory_space<hbm>>
      tpu.enqueue_dma source(%dma_start3A_650 : memref<4096x64xi16, #tpu.memory_space<hbm>>) target(%dma_start3A_648 : memref<4096x64xi16, #tpu.memory_space<hbm>>) target_semaphore(%arg6 : memref<!tpu.dma_semaphore, #tpu.memory_space<semaphore_mem>>)
    } else {
    }
    %jit3A_117 = arith.constant 4096 : i32
    %jit3A_118 = arith.constant 0 : i32
    %select_n3A_119 = arith.select %ge3A_113, %jit3A_117, %jit3A_118 : i32
    %add3A_120 = arith.addi %add3A_109, %select_n3A_119 : i32
    %add3A_121 = arith.addi %add3A_110, %select_n3A_119 : i32
    %sub3A_122 = arith.subi %sub3A_111, %select_n3A_119 : i32
    %ge3A_123 = arith.constant 2048 : i32
    %ge3A_124 = arith.cmpi sge, %sub3A_122, %ge3A_123 : i32
    %convert_element_type3A_125 = arith.extui %ge3A_124 : i1 to i32
    %cond3A_126 = arith.constant 0 : i32
    %cond3A_127 = arith.cmpi ne, %convert_element_type3A_125, %cond3A_126 : i32
    scf.if %cond3A_127 {
      %multiple_of3A_645 = tpu.assume_multiple %add3A_121, 8 : i32
      %multiple_of3A_646 = tpu.assume_multiple %add3A_120, 8 : i32
      %dma_start3A_647 = arith.constant 0 : i32
      %dma_start3A_648 = tpu.memref_slice %arg5[%multiple_of3A_646, %dma_start3A_647] : memref<1000000x64xi16, #tpu.memory_space<hbm>> -> memref<2048x64xi16, #tpu.memory_space<hbm>>
      %dma_start3A_649 = arith.constant 0 : i32
      %dma_start3A_650 = tpu.memref_slice %arg3[%multiple_of3A_645, %dma_start3A_649] : memref<16432x64xi16, #tpu.memory_space<hbm>> -> memref<2048x64xi16, #tpu.memory_space<hbm>>
      tpu.enqueue_dma source(%dma_start3A_650 : memref<2048x64xi16, #tpu.memory_space<hbm>>) target(%dma_start3A_648 : memref<2048x64xi16, #tpu.memory_space<hbm>>) target_semaphore(%arg6 : memref<!tpu.dma_semaphore, #tpu.memory_space<semaphore_mem>>)
    } else {
    }
    %jit3A_128 = arith.constant 2048 : i32
    %jit3A_129 = arith.constant 0 : i32
    %select_n3A_130 = arith.select %ge3A_124, %jit3A_128, %jit3A_129 : i32
    %add3A_131 = arith.addi %add3A_120, %select_n3A_130 : i32
    %add3A_132 = arith.addi %add3A_121, %select_n3A_130 : i32
    %sub3A_133 = arith.subi %sub3A_122, %select_n3A_130 : i32
    %ge3A_134 = arith.constant 1024 : i32
    %ge3A_135 = arith.cmpi sge, %sub3A_133, %ge3A_134 : i32
    %convert_element_type3A_136 = arith.extui %ge3A_135 : i1 to i32
    %cond3A_137 = arith.constant 0 : i32
    %cond3A_138 = arith.cmpi ne, %convert_element_type3A_136, %cond3A_137 : i32
    scf.if %cond3A_138 {
      %multiple_of3A_645 = tpu.assume_multiple %add3A_132, 8 : i32
      %multiple_of3A_646 = tpu.assume_multiple %add3A_131, 8 : i32
      %dma_start3A_647 = arith.constant 0 : i32
      %dma_start3A_648 = tpu.memref_slice %arg5[%multiple_of3A_646, %dma_start3A_647] : memref<1000000x64xi16, #tpu.memory_space<hbm>> -> memref<1024x64xi16, #tpu.memory_space<hbm>>
      %dma_start3A_649 = arith.constant 0 : i32
      %dma_start3A_650 = tpu.memref_slice %arg3[%multiple_of3A_645, %dma_start3A_649] : memref<16432x64xi16, #tpu.memory_space<hbm>> -> memref<1024x64xi16, #tpu.memory_space<hbm>>
      tpu.enqueue_dma source(%dma_start3A_650 : memref<1024x64xi16, #tpu.memory_space<hbm>>) target(%dma_start3A_648 : memref<1024x64xi16, #tpu.memory_space<hbm>>) target_semaphore(%arg6 : memref<!tpu.dma_semaphore, #tpu.memory_space<semaphore_mem>>)
    } else {
    }
    %jit3A_139 = arith.constant 1024 : i32
    %jit3A_140 = arith.constant 0 : i32
    %select_n3A_141 = arith.select %ge3A_135, %jit3A_139, %jit3A_140 : i32
    %add3A_142 = arith.addi %add3A_131, %select_n3A_141 : i32
    %add3A_143 = arith.addi %add3A_132, %select_n3A_141 : i32
    %sub3A_144 = arith.subi %sub3A_133, %select_n3A_141 : i32
    %ge3A_145 = arith.constant 512 : i32
    %ge3A_146 = arith.cmpi sge, %sub3A_144, %ge3A_145 : i32
    %convert_element_type3A_147 = arith.extui %ge3A_146 : i1 to i32
    %cond3A_148 = arith.constant 0 : i32
    %cond3A_149 = arith.cmpi ne, %convert_element_type3A_147, %cond3A_148 : i32
    scf.if %cond3A_149 {
      %multiple_of3A_645 = tpu.assume_multiple %add3A_143, 8 : i32
      %multiple_of3A_646 = tpu.assume_multiple %add3A_142, 8 : i32
      %dma_start3A_647 = arith.constant 0 : i32
      %dma_start3A_648 = tpu.memref_slice %arg5[%multiple_of3A_646, %dma_start3A_647] : memref<1000000x64xi16, #tpu.memory_space<hbm>> -> memref<512x64xi16, #tpu.memory_space<hbm>>
      %dma_start3A_649 = arith.constant 0 : i32
      %dma_start3A_650 = tpu.memref_slice %arg3[%multiple_of3A_645, %dma_start3A_649] : memref<16432x64xi16, #tpu.memory_space<hbm>> -> memref<512x64xi16, #tpu.memory_space<hbm>>
      tpu.enqueue_dma source(%dma_start3A_650 : memref<512x64xi16, #tpu.memory_space<hbm>>) target(%dma_start3A_648 : memref<512x64xi16, #tpu.memory_space<hbm>>) target_semaphore(%arg6 : memref<!tpu.dma_semaphore, #tpu.memory_space<semaphore_mem>>)
    } else {
    }
    %jit3A_150 = arith.constant 512 : i32
    %jit3A_151 = arith.constant 0 : i32
    %select_n3A_152 = arith.select %ge3A_146, %jit3A_150, %jit3A_151 : i32
    %add3A_153 = arith.addi %add3A_142, %select_n3A_152 : i32
    %add3A_154 = arith.addi %add3A_143, %select_n3A_152 : i32
    %sub3A_155 = arith.subi %sub3A_144, %select_n3A_152 : i32
    %ge3A_156 = arith.constant 256 : i32
    %ge3A_157 = arith.cmpi sge, %sub3A_155, %ge3A_156 : i32
    %convert_element_type3A_158 = arith.extui %ge3A_157 : i1 to i32
    %cond3A_159 = arith.constant 0 : i32
    %cond3A_160 = arith.cmpi ne, %convert_element_type3A_158, %cond3A_159 : i32
    scf.if %cond3A_160 {
      %multiple_of3A_645 = tpu.assume_multiple %add3A_154, 8 : i32
      %multiple_of3A_646 = tpu.assume_multiple %add3A_153, 8 : i32
      %dma_start3A_647 = arith.constant 0 : i32
      %dma_start3A_648 = tpu.memref_slice %arg5[%multiple_of3A_646, %dma_start3A_647] : memref<1000000x64xi16, #tpu.memory_space<hbm>> -> memref<256x64xi16, #tpu.memory_space<hbm>>
      %dma_start3A_649 = arith.constant 0 : i32
      %dma_start3A_650 = tpu.memref_slice %arg3[%multiple_of3A_645, %dma_start3A_649] : memref<16432x64xi16, #tpu.memory_space<hbm>> -> memref<256x64xi16, #tpu.memory_space<hbm>>
      tpu.enqueue_dma source(%dma_start3A_650 : memref<256x64xi16, #tpu.memory_space<hbm>>) target(%dma_start3A_648 : memref<256x64xi16, #tpu.memory_space<hbm>>) target_semaphore(%arg6 : memref<!tpu.dma_semaphore, #tpu.memory_space<semaphore_mem>>)
    } else {
    }
    %jit3A_161 = arith.constant 256 : i32
    %jit3A_162 = arith.constant 0 : i32
    %select_n3A_163 = arith.select %ge3A_157, %jit3A_161, %jit3A_162 : i32
    %add3A_164 = arith.addi %add3A_153, %select_n3A_163 : i32
    %add3A_165 = arith.addi %add3A_154, %select_n3A_163 : i32
    %sub3A_166 = arith.subi %sub3A_155, %select_n3A_163 : i32
    %ge3A_167 = arith.constant 128 : i32
    %ge3A_168 = arith.cmpi sge, %sub3A_166, %ge3A_167 : i32
    %convert_element_type3A_169 = arith.extui %ge3A_168 : i1 to i32
    %cond3A_170 = arith.constant 0 : i32
    %cond3A_171 = arith.cmpi ne, %convert_element_type3A_169, %cond3A_170 : i32
    scf.if %cond3A_171 {
      %multiple_of3A_645 = tpu.assume_multiple %add3A_165, 8 : i32
      %multiple_of3A_646 = tpu.assume_multiple %add3A_164, 8 : i32
      %dma_start3A_647 = arith.constant 0 : i32
      %dma_start3A_648 = tpu.memref_slice %arg5[%multiple_of3A_646, %dma_start3A_647] : memref<1000000x64xi16, #tpu.memory_space<hbm>> -> memref<128x64xi16, #tpu.memory_space<hbm>>
      %dma_start3A_649 = arith.constant 0 : i32
      %dma_start3A_650 = tpu.memref_slice %arg3[%multiple_of3A_645, %dma_start3A_649] : memref<16432x64xi16, #tpu.memory_space<hbm>> -> memref<128x64xi16, #tpu.memory_space<hbm>>
      tpu.enqueue_dma source(%dma_start3A_650 : memref<128x64xi16, #tpu.memory_space<hbm>>) target(%dma_start3A_648 : memref<128x64xi16, #tpu.memory_space<hbm>>) target_semaphore(%arg6 : memref<!tpu.dma_semaphore, #tpu.memory_space<semaphore_mem>>)
    } else {
    }
    %jit3A_172 = arith.constant 128 : i32
    %jit3A_173 = arith.constant 0 : i32
    %select_n3A_174 = arith.select %ge3A_168, %jit3A_172, %jit3A_173 : i32
    %add3A_175 = arith.addi %add3A_164, %select_n3A_174 : i32
    %add3A_176 = arith.addi %add3A_165, %select_n3A_174 : i32
    %sub3A_177 = arith.subi %sub3A_166, %select_n3A_174 : i32
    %ge3A_178 = arith.constant 64 : i32
    %ge3A_179 = arith.cmpi sge, %sub3A_177, %ge3A_178 : i32
    %convert_element_type3A_180 = arith.extui %ge3A_179 : i1 to i32
    %cond3A_181 = arith.constant 0 : i32
    %cond3A_182 = arith.cmpi ne, %convert_element_type3A_180, %cond3A_181 : i32
    scf.if %cond3A_182 {
      %multiple_of3A_645 = tpu.assume_multiple %add3A_176, 8 : i32
      %multiple_of3A_646 = tpu.assume_multiple %add3A_175, 8 : i32
      %dma_start3A_647 = arith.constant 0 : i32
      %dma_start3A_648 = tpu.memref_slice %arg5[%multiple_of3A_646, %dma_start3A_647] : memref<1000000x64xi16, #tpu.memory_space<hbm>> -> memref<64x64xi16, #tpu.memory_space<hbm>>
      %dma_start3A_649 = arith.constant 0 : i32
      %dma_start3A_650 = tpu.memref_slice %arg3[%multiple_of3A_645, %dma_start3A_649] : memref<16432x64xi16, #tpu.memory_space<hbm>> -> memref<64x64xi16, #tpu.memory_space<hbm>>
      tpu.enqueue_dma source(%dma_start3A_650 : memref<64x64xi16, #tpu.memory_space<hbm>>) target(%dma_start3A_648 : memref<64x64xi16, #tpu.memory_space<hbm>>) target_semaphore(%arg6 : memref<!tpu.dma_semaphore, #tpu.memory_space<semaphore_mem>>)
    } else {
    }
    %jit3A_183 = arith.constant 64 : i32
    %jit3A_184 = arith.constant 0 : i32
    %select_n3A_185 = arith.select %ge3A_179, %jit3A_183, %jit3A_184 : i32
    %add3A_186 = arith.addi %add3A_175, %select_n3A_185 : i32
    %add3A_187 = arith.addi %add3A_176, %select_n3A_185 : i32
    %sub3A_188 = arith.subi %sub3A_177, %select_n3A_185 : i32
    %ge3A_189 = arith.constant 32 : i32
    %ge3A_190 = arith.cmpi sge, %sub3A_188, %ge3A_189 : i32
    %convert_element_type3A_191 = arith.extui %ge3A_190 : i1 to i32
    %cond3A_192 = arith.constant 0 : i32
    %cond3A_193 = arith.cmpi ne, %convert_element_type3A_191, %cond3A_192 : i32
    scf.if %cond3A_193 {
      %multiple_of3A_645 = tpu.assume_multiple %add3A_187, 8 : i32
      %multiple_of3A_646 = tpu.assume_multiple %add3A_186, 8 : i32
      %dma_start3A_647 = arith.constant 0 : i32
      %dma_start3A_648 = tpu.memref_slice %arg5[%multiple_of3A_646, %dma_start3A_647] : memref<1000000x64xi16, #tpu.memory_space<hbm>> -> memref<32x64xi16, #tpu.memory_space<hbm>>
      %dma_start3A_649 = arith.constant 0 : i32
      %dma_start3A_650 = tpu.memref_slice %arg3[%multiple_of3A_645, %dma_start3A_649] : memref<16432x64xi16, #tpu.memory_space<hbm>> -> memref<32x64xi16, #tpu.memory_space<hbm>>
      tpu.enqueue_dma source(%dma_start3A_650 : memref<32x64xi16, #tpu.memory_space<hbm>>) target(%dma_start3A_648 : memref<32x64xi16, #tpu.memory_space<hbm>>) target_semaphore(%arg6 : memref<!tpu.dma_semaphore, #tpu.memory_space<semaphore_mem>>)
    } else {
    }
    %jit3A_194 = arith.constant 32 : i32
    %jit3A_195 = arith.constant 0 : i32
    %select_n3A_196 = arith.select %ge3A_190, %jit3A_194, %jit3A_195 : i32
    %add3A_197 = arith.addi %add3A_186, %select_n3A_196 : i32
    %add3A_198 = arith.addi %add3A_187, %select_n3A_196 : i32
    %sub3A_199 = arith.subi %sub3A_188, %select_n3A_196 : i32
    %ge3A_200 = arith.constant 16 : i32
    %ge3A_201 = arith.cmpi sge, %sub3A_199, %ge3A_200 : i32
    %convert_element_type3A_202 = arith.extui %ge3A_201 : i1 to i32
    %cond3A_203 = arith.constant 0 : i32
    %cond3A_204 = arith.cmpi ne, %convert_element_type3A_202, %cond3A_203 : i32
    scf.if %cond3A_204 {
      %multiple_of3A_645 = tpu.assume_multiple %add3A_198, 8 : i32
      %multiple_of3A_646 = tpu.assume_multiple %add3A_197, 8 : i32
      %dma_start3A_647 = arith.constant 0 : i32
      %dma_start3A_648 = tpu.memref_slice %arg5[%multiple_of3A_646, %dma_start3A_647] : memref<1000000x64xi16, #tpu.memory_space<hbm>> -> memref<16x64xi16, #tpu.memory_space<hbm>>
      %dma_start3A_649 = arith.constant 0 : i32
      %dma_start3A_650 = tpu.memref_slice %arg3[%multiple_of3A_645, %dma_start3A_649] : memref<16432x64xi16, #tpu.memory_space<hbm>> -> memref<16x64xi16, #tpu.memory_space<hbm>>
      tpu.enqueue_dma source(%dma_start3A_650 : memref<16x64xi16, #tpu.memory_space<hbm>>) target(%dma_start3A_648 : memref<16x64xi16, #tpu.memory_space<hbm>>) target_semaphore(%arg6 : memref<!tpu.dma_semaphore, #tpu.memory_space<semaphore_mem>>)
    } else {
    }
    %jit3A_205 = arith.constant 16 : i32
    %jit3A_206 = arith.constant 0 : i32
    %select_n3A_207 = arith.select %ge3A_201, %jit3A_205, %jit3A_206 : i32
    %add3A_208 = arith.addi %add3A_197, %select_n3A_207 : i32
    %add3A_209 = arith.addi %add3A_198, %select_n3A_207 : i32
    %sub3A_210 = arith.subi %sub3A_199, %select_n3A_207 : i32
    %ge3A_211 = arith.constant 8 : i32
    %ge3A_212 = arith.cmpi sge, %sub3A_210, %ge3A_211 : i32
    %convert_element_type3A_213 = arith.extui %ge3A_212 : i1 to i32
    %cond3A_214 = arith.constant 0 : i32
    %cond3A_215 = arith.cmpi ne, %convert_element_type3A_213, %cond3A_214 : i32
    scf.if %cond3A_215 {
      %multiple_of3A_645 = tpu.assume_multiple %add3A_209, 8 : i32
      %multiple_of3A_646 = tpu.assume_multiple %add3A_208, 8 : i32
      %dma_start3A_647 = arith.constant 0 : i32
      %dma_start3A_648 = tpu.memref_slice %arg5[%multiple_of3A_646, %dma_start3A_647] : memref<1000000x64xi16, #tpu.memory_space<hbm>> -> memref<8x64xi16, #tpu.memory_space<hbm>>
      %dma_start3A_649 = arith.constant 0 : i32
      %dma_start3A_650 = tpu.memref_slice %arg3[%multiple_of3A_645, %dma_start3A_649] : memref<16432x64xi16, #tpu.memory_space<hbm>> -> memref<8x64xi16, #tpu.memory_space<hbm>>
      tpu.enqueue_dma source(%dma_start3A_650 : memref<8x64xi16, #tpu.memory_space<hbm>>) target(%dma_start3A_648 : memref<8x64xi16, #tpu.memory_space<hbm>>) target_semaphore(%arg6 : memref<!tpu.dma_semaphore, #tpu.memory_space<semaphore_mem>>)
    } else {
    }
    %ge3A_216 = arith.constant 16384 : i32
    %ge3A_217 = arith.cmpi sge, %max3A_90, %ge3A_216 : i32
    %convert_element_type3A_218 = arith.extui %ge3A_217 : i1 to i32
    %cond3A_219 = arith.constant 0 : i32
    %cond3A_220 = arith.cmpi ne, %convert_element_type3A_218, %cond3A_219 : i32
    scf.if %cond3A_220 {
      %multiple_of3A_645 = tpu.assume_multiple %add3A_92, 8 : i32
      %multiple_of3A_646 = arith.constant 0 : i32
      %multiple_of3A_647 = tpu.assume_multiple %multiple_of3A_646, 8 : i32
      %dma_start3A_648 = arith.constant 0 : i32
      %dma_start3A_649 = tpu.memref_slice %arg5[%multiple_of3A_647, %dma_start3A_648] : memref<1000000x64xi16, #tpu.memory_space<hbm>> -> memref<16384x64xi16, #tpu.memory_space<hbm>>
      %dma_start3A_650 = arith.constant 0 : i32
      %dma_start3A_651 = tpu.memref_slice %arg3[%multiple_of3A_645, %dma_start3A_650] : memref<16432x64xi16, #tpu.memory_space<hbm>> -> memref<16384x64xi16, #tpu.memory_space<hbm>>
      tpu.enqueue_dma source(%dma_start3A_651 : memref<16384x64xi16, #tpu.memory_space<hbm>>) target(%dma_start3A_649 : memref<16384x64xi16, #tpu.memory_space<hbm>>) target_semaphore(%arg6 : memref<!tpu.dma_semaphore, #tpu.memory_space<semaphore_mem>>)
    } else {
    }
    %jit3A_221 = arith.constant 16384 : i32
    %jit3A_222 = arith.constant 0 : i32
    %select_n3A_223 = arith.select %ge3A_217, %jit3A_221, %jit3A_222 : i32
    %add3A_224 = arith.constant 0 : i32
    %add3A_225 = arith.addi %add3A_224, %select_n3A_223 : i32
    %add3A_226 = arith.addi %add3A_92, %select_n3A_223 : i32
    %sub3A_227 = arith.subi %max3A_90, %select_n3A_223 : i32
    %ge3A_228 = arith.constant 8192 : i32
    %ge3A_229 = arith.cmpi sge, %sub3A_227, %ge3A_228 : i32
    %convert_element_type3A_230 = arith.extui %ge3A_229 : i1 to i32
    %cond3A_231 = arith.constant 0 : i32
    %cond3A_232 = arith.cmpi ne, %convert_element_type3A_230, %cond3A_231 : i32
    scf.if %cond3A_232 {
      %multiple_of3A_645 = tpu.assume_multiple %add3A_226, 8 : i32
      %multiple_of3A_646 = tpu.assume_multiple %add3A_225, 8 : i32
      %dma_start3A_647 = arith.constant 0 : i32
      %dma_start3A_648 = tpu.memref_slice %arg5[%multiple_of3A_646, %dma_start3A_647] : memref<1000000x64xi16, #tpu.memory_space<hbm>> -> memref<8192x64xi16, #tpu.memory_space<hbm>>
      %dma_start3A_649 = arith.constant 0 : i32
      %dma_start3A_650 = tpu.memref_slice %arg3[%multiple_of3A_645, %dma_start3A_649] : memref<16432x64xi16, #tpu.memory_space<hbm>> -> memref<8192x64xi16, #tpu.memory_space<hbm>>
      tpu.enqueue_dma source(%dma_start3A_650 : memref<8192x64xi16, #tpu.memory_space<hbm>>) target(%dma_start3A_648 : memref<8192x64xi16, #tpu.memory_space<hbm>>) target_semaphore(%arg6 : memref<!tpu.dma_semaphore, #tpu.memory_space<semaphore_mem>>)
    } else {
    }
    %jit3A_233 = arith.constant 8192 : i32
    %jit3A_234 = arith.constant 0 : i32
    %select_n3A_235 = arith.select %ge3A_229, %jit3A_233, %jit3A_234 : i32
    %add3A_236 = arith.addi %add3A_225, %select_n3A_235 : i32
    %add3A_237 = arith.addi %add3A_226, %select_n3A_235 : i32
    %sub3A_238 = arith.subi %sub3A_227, %select_n3A_235 : i32
    %ge3A_239 = arith.constant 4096 : i32
    %ge3A_240 = arith.cmpi sge, %sub3A_238, %ge3A_239 : i32
    %convert_element_type3A_241 = arith.extui %ge3A_240 : i1 to i32
    %cond3A_242 = arith.constant 0 : i32
    %cond3A_243 = arith.cmpi ne, %convert_element_type3A_241, %cond3A_242 : i32
    scf.if %cond3A_243 {
      %multiple_of3A_645 = tpu.assume_multiple %add3A_237, 8 : i32
      %multiple_of3A_646 = tpu.assume_multiple %add3A_236, 8 : i32
      %dma_start3A_647 = arith.constant 0 : i32
      %dma_start3A_648 = tpu.memref_slice %arg5[%multiple_of3A_646, %dma_start3A_647] : memref<1000000x64xi16, #tpu.memory_space<hbm>> -> memref<4096x64xi16, #tpu.memory_space<hbm>>
      %dma_start3A_649 = arith.constant 0 : i32
      %dma_start3A_650 = tpu.memref_slice %arg3[%multiple_of3A_645, %dma_start3A_649] : memref<16432x64xi16, #tpu.memory_space<hbm>> -> memref<4096x64xi16, #tpu.memory_space<hbm>>
      tpu.enqueue_dma source(%dma_start3A_650 : memref<4096x64xi16, #tpu.memory_space<hbm>>) target(%dma_start3A_648 : memref<4096x64xi16, #tpu.memory_space<hbm>>) target_semaphore(%arg6 : memref<!tpu.dma_semaphore, #tpu.memory_space<semaphore_mem>>)
    } else {
    }
    %jit3A_244 = arith.constant 4096 : i32
    %jit3A_245 = arith.constant 0 : i32
    %select_n3A_246 = arith.select %ge3A_240, %jit3A_244, %jit3A_245 : i32
    %add3A_247 = arith.addi %add3A_236, %select_n3A_246 : i32
    %add3A_248 = arith.addi %add3A_237, %select_n3A_246 : i32
    %sub3A_249 = arith.subi %sub3A_238, %select_n3A_246 : i32
    %ge3A_250 = arith.constant 2048 : i32
    %ge3A_251 = arith.cmpi sge, %sub3A_249, %ge3A_250 : i32
    %convert_element_type3A_252 = arith.extui %ge3A_251 : i1 to i32
    %cond3A_253 = arith.constant 0 : i32
    %cond3A_254 = arith.cmpi ne, %convert_element_type3A_252, %cond3A_253 : i32
    scf.if %cond3A_254 {
      %multiple_of3A_645 = tpu.assume_multiple %add3A_248, 8 : i32
      %multiple_of3A_646 = tpu.assume_multiple %add3A_247, 8 : i32
      %dma_start3A_647 = arith.constant 0 : i32
      %dma_start3A_648 = tpu.memref_slice %arg5[%multiple_of3A_646, %dma_start3A_647] : memref<1000000x64xi16, #tpu.memory_space<hbm>> -> memref<2048x64xi16, #tpu.memory_space<hbm>>
      %dma_start3A_649 = arith.constant 0 : i32
      %dma_start3A_650 = tpu.memref_slice %arg3[%multiple_of3A_645, %dma_start3A_649] : memref<16432x64xi16, #tpu.memory_space<hbm>> -> memref<2048x64xi16, #tpu.memory_space<hbm>>
      tpu.enqueue_dma source(%dma_start3A_650 : memref<2048x64xi16, #tpu.memory_space<hbm>>) target(%dma_start3A_648 : memref<2048x64xi16, #tpu.memory_space<hbm>>) target_semaphore(%arg6 : memref<!tpu.dma_semaphore, #tpu.memory_space<semaphore_mem>>)
    } else {
    }
    %jit3A_255 = arith.constant 2048 : i32
    %jit3A_256 = arith.constant 0 : i32
    %select_n3A_257 = arith.select %ge3A_251, %jit3A_255, %jit3A_256 : i32
    %add3A_258 = arith.addi %add3A_247, %select_n3A_257 : i32
    %add3A_259 = arith.addi %add3A_248, %select_n3A_257 : i32
    %sub3A_260 = arith.subi %sub3A_249, %select_n3A_257 : i32
    %ge3A_261 = arith.constant 1024 : i32
    %ge3A_262 = arith.cmpi sge, %sub3A_260, %ge3A_261 : i32
    %convert_element_type3A_263 = arith.extui %ge3A_262 : i1 to i32
    %cond3A_264 = arith.constant 0 : i32
    %cond3A_265 = arith.cmpi ne, %convert_element_type3A_263, %cond3A_264 : i32
    scf.if %cond3A_265 {
      %multiple_of3A_645 = tpu.assume_multiple %add3A_259, 8 : i32
      %multiple_of3A_646 = tpu.assume_multiple %add3A_258, 8 : i32
      %dma_start3A_647 = arith.constant 0 : i32
      %dma_start3A_648 = tpu.memref_slice %arg5[%multiple_of3A_646, %dma_start3A_647] : memref<1000000x64xi16, #tpu.memory_space<hbm>> -> memref<1024x64xi16, #tpu.memory_space<hbm>>
      %dma_start3A_649 = arith.constant 0 : i32
      %dma_start3A_650 = tpu.memref_slice %arg3[%multiple_of3A_645, %dma_start3A_649] : memref<16432x64xi16, #tpu.memory_space<hbm>> -> memref<1024x64xi16, #tpu.memory_space<hbm>>
      tpu.enqueue_dma source(%dma_start3A_650 : memref<1024x64xi16, #tpu.memory_space<hbm>>) target(%dma_start3A_648 : memref<1024x64xi16, #tpu.memory_space<hbm>>) target_semaphore(%arg6 : memref<!tpu.dma_semaphore, #tpu.memory_space<semaphore_mem>>)
    } else {
    }
    %jit3A_266 = arith.constant 1024 : i32
    %jit3A_267 = arith.constant 0 : i32
    %select_n3A_268 = arith.select %ge3A_262, %jit3A_266, %jit3A_267 : i32
    %add3A_269 = arith.addi %add3A_258, %select_n3A_268 : i32
    %add3A_270 = arith.addi %add3A_259, %select_n3A_268 : i32
    %sub3A_271 = arith.subi %sub3A_260, %select_n3A_268 : i32
    %ge3A_272 = arith.constant 512 : i32
    %ge3A_273 = arith.cmpi sge, %sub3A_271, %ge3A_272 : i32
    %convert_element_type3A_274 = arith.extui %ge3A_273 : i1 to i32
    %cond3A_275 = arith.constant 0 : i32
    %cond3A_276 = arith.cmpi ne, %convert_element_type3A_274, %cond3A_275 : i32
    scf.if %cond3A_276 {
      %multiple_of3A_645 = tpu.assume_multiple %add3A_270, 8 : i32
      %multiple_of3A_646 = tpu.assume_multiple %add3A_269, 8 : i32
      %dma_start3A_647 = arith.constant 0 : i32
      %dma_start3A_648 = tpu.memref_slice %arg5[%multiple_of3A_646, %dma_start3A_647] : memref<1000000x64xi16, #tpu.memory_space<hbm>> -> memref<512x64xi16, #tpu.memory_space<hbm>>
      %dma_start3A_649 = arith.constant 0 : i32
      %dma_start3A_650 = tpu.memref_slice %arg3[%multiple_of3A_645, %dma_start3A_649] : memref<16432x64xi16, #tpu.memory_space<hbm>> -> memref<512x64xi16, #tpu.memory_space<hbm>>
      tpu.enqueue_dma source(%dma_start3A_650 : memref<512x64xi16, #tpu.memory_space<hbm>>) target(%dma_start3A_648 : memref<512x64xi16, #tpu.memory_space<hbm>>) target_semaphore(%arg6 : memref<!tpu.dma_semaphore, #tpu.memory_space<semaphore_mem>>)
    } else {
    }
    %jit3A_277 = arith.constant 512 : i32
    %jit3A_278 = arith.constant 0 : i32
    %select_n3A_279 = arith.select %ge3A_273, %jit3A_277, %jit3A_278 : i32
    %add3A_280 = arith.addi %add3A_269, %select_n3A_279 : i32
    %add3A_281 = arith.addi %add3A_270, %select_n3A_279 : i32
    %sub3A_282 = arith.subi %sub3A_271, %select_n3A_279 : i32
    %ge3A_283 = arith.constant 256 : i32
    %ge3A_284 = arith.cmpi sge, %sub3A_282, %ge3A_283 : i32
    %convert_element_type3A_285 = arith.extui %ge3A_284 : i1 to i32
    %cond3A_286 = arith.constant 0 : i32
    %cond3A_287 = arith.cmpi ne, %convert_element_type3A_285, %cond3A_286 : i32
    scf.if %cond3A_287 {
      %multiple_of3A_645 = tpu.assume_multiple %add3A_281, 8 : i32
      %multiple_of3A_646 = tpu.assume_multiple %add3A_280, 8 : i32
      %dma_start3A_647 = arith.constant 0 : i32
      %dma_start3A_648 = tpu.memref_slice %arg5[%multiple_of3A_646, %dma_start3A_647] : memref<1000000x64xi16, #tpu.memory_space<hbm>> -> memref<256x64xi16, #tpu.memory_space<hbm>>
      %dma_start3A_649 = arith.constant 0 : i32
      %dma_start3A_650 = tpu.memref_slice %arg3[%multiple_of3A_645, %dma_start3A_649] : memref<16432x64xi16, #tpu.memory_space<hbm>> -> memref<256x64xi16, #tpu.memory_space<hbm>>
      tpu.enqueue_dma source(%dma_start3A_650 : memref<256x64xi16, #tpu.memory_space<hbm>>) target(%dma_start3A_648 : memref<256x64xi16, #tpu.memory_space<hbm>>) target_semaphore(%arg6 : memref<!tpu.dma_semaphore, #tpu.memory_space<semaphore_mem>>)
    } else {
    }
    %jit3A_288 = arith.constant 256 : i32
    %jit3A_289 = arith.constant 0 : i32
    %select_n3A_290 = arith.select %ge3A_284, %jit3A_288, %jit3A_289 : i32
    %add3A_291 = arith.addi %add3A_280, %select_n3A_290 : i32
    %add3A_292 = arith.addi %add3A_281, %select_n3A_290 : i32
    %sub3A_293 = arith.subi %sub3A_282, %select_n3A_290 : i32
    %ge3A_294 = arith.constant 128 : i32
    %ge3A_295 = arith.cmpi sge, %sub3A_293, %ge3A_294 : i32
    %convert_element_type3A_296 = arith.extui %ge3A_295 : i1 to i32
    %cond3A_297 = arith.constant 0 : i32
    %cond3A_298 = arith.cmpi ne, %convert_element_type3A_296, %cond3A_297 : i32
    scf.if %cond3A_298 {
      %multiple_of3A_645 = tpu.assume_multiple %add3A_292, 8 : i32
      %multiple_of3A_646 = tpu.assume_multiple %add3A_291, 8 : i32
      %dma_start3A_647 = arith.constant 0 : i32
      %dma_start3A_648 = tpu.memref_slice %arg5[%multiple_of3A_646, %dma_start3A_647] : memref<1000000x64xi16, #tpu.memory_space<hbm>> -> memref<128x64xi16, #tpu.memory_space<hbm>>
      %dma_start3A_649 = arith.constant 0 : i32
      %dma_start3A_650 = tpu.memref_slice %arg3[%multiple_of3A_645, %dma_start3A_649] : memref<16432x64xi16, #tpu.memory_space<hbm>> -> memref<128x64xi16, #tpu.memory_space<hbm>>
      tpu.enqueue_dma source(%dma_start3A_650 : memref<128x64xi16, #tpu.memory_space<hbm>>) target(%dma_start3A_648 : memref<128x64xi16, #tpu.memory_space<hbm>>) target_semaphore(%arg6 : memref<!tpu.dma_semaphore, #tpu.memory_space<semaphore_mem>>)
    } else {
    }
    %jit3A_299 = arith.constant 128 : i32
    %jit3A_300 = arith.constant 0 : i32
    %select_n3A_301 = arith.select %ge3A_295, %jit3A_299, %jit3A_300 : i32
    %add3A_302 = arith.addi %add3A_291, %select_n3A_301 : i32
    %add3A_303 = arith.addi %add3A_292, %select_n3A_301 : i32
    %sub3A_304 = arith.subi %sub3A_293, %select_n3A_301 : i32
    %ge3A_305 = arith.constant 64 : i32
    %ge3A_306 = arith.cmpi sge, %sub3A_304, %ge3A_305 : i32
    %convert_element_type3A_307 = arith.extui %ge3A_306 : i1 to i32
    %cond3A_308 = arith.constant 0 : i32
    %cond3A_309 = arith.cmpi ne, %convert_element_type3A_307, %cond3A_308 : i32
    scf.if %cond3A_309 {
      %multiple_of3A_645 = tpu.assume_multiple %add3A_303, 8 : i32
      %multiple_of3A_646 = tpu.assume_multiple %add3A_302, 8 : i32
      %dma_start3A_647 = arith.constant 0 : i32
      %dma_start3A_648 = tpu.memref_slice %arg5[%multiple_of3A_646, %dma_start3A_647] : memref<1000000x64xi16, #tpu.memory_space<hbm>> -> memref<64x64xi16, #tpu.memory_space<hbm>>
      %dma_start3A_649 = arith.constant 0 : i32
      %dma_start3A_650 = tpu.memref_slice %arg3[%multiple_of3A_645, %dma_start3A_649] : memref<16432x64xi16, #tpu.memory_space<hbm>> -> memref<64x64xi16, #tpu.memory_space<hbm>>
      tpu.enqueue_dma source(%dma_start3A_650 : memref<64x64xi16, #tpu.memory_space<hbm>>) target(%dma_start3A_648 : memref<64x64xi16, #tpu.memory_space<hbm>>) target_semaphore(%arg6 : memref<!tpu.dma_semaphore, #tpu.memory_space<semaphore_mem>>)
    } else {
    }
    %jit3A_310 = arith.constant 64 : i32
    %jit3A_311 = arith.constant 0 : i32
    %select_n3A_312 = arith.select %ge3A_306, %jit3A_310, %jit3A_311 : i32
    %add3A_313 = arith.addi %add3A_302, %select_n3A_312 : i32
    %add3A_314 = arith.addi %add3A_303, %select_n3A_312 : i32
    %sub3A_315 = arith.subi %sub3A_304, %select_n3A_312 : i32
    %ge3A_316 = arith.constant 32 : i32
    %ge3A_317 = arith.cmpi sge, %sub3A_315, %ge3A_316 : i32
    %convert_element_type3A_318 = arith.extui %ge3A_317 : i1 to i32
    %cond3A_319 = arith.constant 0 : i32
    %cond3A_320 = arith.cmpi ne, %convert_element_type3A_318, %cond3A_319 : i32
    scf.if %cond3A_320 {
      %multiple_of3A_645 = tpu.assume_multiple %add3A_314, 8 : i32
      %multiple_of3A_646 = tpu.assume_multiple %add3A_313, 8 : i32
      %dma_start3A_647 = arith.constant 0 : i32
      %dma_start3A_648 = tpu.memref_slice %arg5[%multiple_of3A_646, %dma_start3A_647] : memref<1000000x64xi16, #tpu.memory_space<hbm>> -> memref<32x64xi16, #tpu.memory_space<hbm>>
      %dma_start3A_649 = arith.constant 0 : i32
      %dma_start3A_650 = tpu.memref_slice %arg3[%multiple_of3A_645, %dma_start3A_649] : memref<16432x64xi16, #tpu.memory_space<hbm>> -> memref<32x64xi16, #tpu.memory_space<hbm>>
      tpu.enqueue_dma source(%dma_start3A_650 : memref<32x64xi16, #tpu.memory_space<hbm>>) target(%dma_start3A_648 : memref<32x64xi16, #tpu.memory_space<hbm>>) target_semaphore(%arg6 : memref<!tpu.dma_semaphore, #tpu.memory_space<semaphore_mem>>)
    } else {
    }
    %jit3A_321 = arith.constant 32 : i32
    %jit3A_322 = arith.constant 0 : i32
    %select_n3A_323 = arith.select %ge3A_317, %jit3A_321, %jit3A_322 : i32
    %add3A_324 = arith.addi %add3A_313, %select_n3A_323 : i32
    %add3A_325 = arith.addi %add3A_314, %select_n3A_323 : i32
    %sub3A_326 = arith.subi %sub3A_315, %select_n3A_323 : i32
    %ge3A_327 = arith.constant 16 : i32
    %ge3A_328 = arith.cmpi sge, %sub3A_326, %ge3A_327 : i32
    %convert_element_type3A_329 = arith.extui %ge3A_328 : i1 to i32
    %cond3A_330 = arith.constant 0 : i32
    %cond3A_331 = arith.cmpi ne, %convert_element_type3A_329, %cond3A_330 : i32
    scf.if %cond3A_331 {
      %multiple_of3A_645 = tpu.assume_multiple %add3A_325, 8 : i32
      %multiple_of3A_646 = tpu.assume_multiple %add3A_324, 8 : i32
      %dma_start3A_647 = arith.constant 0 : i32
      %dma_start3A_648 = tpu.memref_slice %arg5[%multiple_of3A_646, %dma_start3A_647] : memref<1000000x64xi16, #tpu.memory_space<hbm>> -> memref<16x64xi16, #tpu.memory_space<hbm>>
      %dma_start3A_649 = arith.constant 0 : i32
      %dma_start3A_650 = tpu.memref_slice %arg3[%multiple_of3A_645, %dma_start3A_649] : memref<16432x64xi16, #tpu.memory_space<hbm>> -> memref<16x64xi16, #tpu.memory_space<hbm>>
      tpu.enqueue_dma source(%dma_start3A_650 : memref<16x64xi16, #tpu.memory_space<hbm>>) target(%dma_start3A_648 : memref<16x64xi16, #tpu.memory_space<hbm>>) target_semaphore(%arg6 : memref<!tpu.dma_semaphore, #tpu.memory_space<semaphore_mem>>)
    } else {
    }
    %jit3A_332 = arith.constant 16 : i32
    %jit3A_333 = arith.constant 0 : i32
    %select_n3A_334 = arith.select %ge3A_328, %jit3A_332, %jit3A_333 : i32
    %add3A_335 = arith.addi %add3A_324, %select_n3A_334 : i32
    %add3A_336 = arith.addi %add3A_325, %select_n3A_334 : i32
    %sub3A_337 = arith.subi %sub3A_326, %select_n3A_334 : i32
    %ge3A_338 = arith.constant 8 : i32
    %ge3A_339 = arith.cmpi sge, %sub3A_337, %ge3A_338 : i32
    %convert_element_type3A_340 = arith.extui %ge3A_339 : i1 to i32
    %cond3A_341 = arith.constant 0 : i32
    %cond3A_342 = arith.cmpi ne, %convert_element_type3A_340, %cond3A_341 : i32
    scf.if %cond3A_342 {
      %multiple_of3A_645 = tpu.assume_multiple %add3A_336, 8 : i32
      %multiple_of3A_646 = tpu.assume_multiple %add3A_335, 8 : i32
      %dma_start3A_647 = arith.constant 0 : i32
      %dma_start3A_648 = tpu.memref_slice %arg5[%multiple_of3A_646, %dma_start3A_647] : memref<1000000x64xi16, #tpu.memory_space<hbm>> -> memref<8x64xi16, #tpu.memory_space<hbm>>
      %dma_start3A_649 = arith.constant 0 : i32
      %dma_start3A_650 = tpu.memref_slice %arg3[%multiple_of3A_645, %dma_start3A_649] : memref<16432x64xi16, #tpu.memory_space<hbm>> -> memref<8x64xi16, #tpu.memory_space<hbm>>
      tpu.enqueue_dma source(%dma_start3A_650 : memref<8x64xi16, #tpu.memory_space<hbm>>) target(%dma_start3A_648 : memref<8x64xi16, #tpu.memory_space<hbm>>) target_semaphore(%arg6 : memref<!tpu.dma_semaphore, #tpu.memory_space<semaphore_mem>>)
    } else {
    }
    %get3A_343 = arith.constant 4 : index
    %get3A_344 = memref.load %arg1[%get3A_343] : memref<8xi32, #tpu.memory_space<smem>>
    %multiple_of3A = tpu.assume_multiple %get3A_344, 8 : i32
    %get3A_345 = arith.constant 5 : index
    %get3A_346 = memref.load %arg1[%get3A_345] : memref<8xi32, #tpu.memory_space<smem>>
    %multiple_of3A_347 = tpu.assume_multiple %get3A_346, 8 : i32
    %get3A_348 = arith.constant 6 : index
    %get3A_349 = memref.load %arg1[%get3A_348] : memref<8xi32, #tpu.memory_space<smem>>
    %multiple_of3A_350 = tpu.assume_multiple %get3A_349, 8 : i32
    %get3A_351 = arith.constant 7 : index
    %get3A_352 = memref.load %arg1[%get3A_351] : memref<8xi32, #tpu.memory_space<smem>>
    %multiple_of3A_353 = tpu.assume_multiple %get3A_352, 8 : i32
    %dma_start3A = arith.constant 0 : i32
    %dma_start3A_354 = tpu.memref_slice %arg5[%multiple_of3A, %dma_start3A] : memref<1000000x64xi16, #tpu.memory_space<hbm>> -> memref<8x64xi16, #tpu.memory_space<hbm>>
    %dma_start3A_355 = arith.constant 0 : i32
    %dma_start3A_356 = arith.constant 0 : i32
    %dma_start3A_357 = tpu.memref_slice %arg4[%dma_start3A_355, %dma_start3A_356] : memref<32x64xi16, #tpu.memory_space<hbm>> -> memref<8x64xi16, #tpu.memory_space<hbm>>
    tpu.enqueue_dma source(%dma_start3A_357 : memref<8x64xi16, #tpu.memory_space<hbm>>) target(%dma_start3A_354 : memref<8x64xi16, #tpu.memory_space<hbm>>) target_semaphore(%arg6 : memref<!tpu.dma_semaphore, #tpu.memory_space<semaphore_mem>>)
    %dma_start3A_358 = arith.constant 0 : i32
    %dma_start3A_359 = tpu.memref_slice %arg5[%multiple_of3A_347, %dma_start3A_358] : memref<1000000x64xi16, #tpu.memory_space<hbm>> -> memref<8x64xi16, #tpu.memory_space<hbm>>
    %dma_start3A_360 = arith.constant 8 : i32
    %dma_start3A_361 = arith.constant 0 : i32
    %dma_start3A_362 = tpu.memref_slice %arg4[%dma_start3A_360, %dma_start3A_361] : memref<32x64xi16, #tpu.memory_space<hbm>> -> memref<8x64xi16, #tpu.memory_space<hbm>>
    tpu.enqueue_dma source(%dma_start3A_362 : memref<8x64xi16, #tpu.memory_space<hbm>>) target(%dma_start3A_359 : memref<8x64xi16, #tpu.memory_space<hbm>>) target_semaphore(%arg6 : memref<!tpu.dma_semaphore, #tpu.memory_space<semaphore_mem>>)
    %dma_start3A_363 = arith.constant 0 : i32
    %dma_start3A_364 = tpu.memref_slice %arg5[%multiple_of3A_350, %dma_start3A_363] : memref<1000000x64xi16, #tpu.memory_space<hbm>> -> memref<8x64xi16, #tpu.memory_space<hbm>>
    %dma_start3A_365 = arith.constant 16 : i32
    %dma_start3A_366 = arith.constant 0 : i32
    %dma_start3A_367 = tpu.memref_slice %arg4[%dma_start3A_365, %dma_start3A_366] : memref<32x64xi16, #tpu.memory_space<hbm>> -> memref<8x64xi16, #tpu.memory_space<hbm>>
    tpu.enqueue_dma source(%dma_start3A_367 : memref<8x64xi16, #tpu.memory_space<hbm>>) target(%dma_start3A_364 : memref<8x64xi16, #tpu.memory_space<hbm>>) target_semaphore(%arg6 : memref<!tpu.dma_semaphore, #tpu.memory_space<semaphore_mem>>)
    %dma_start3A_368 = arith.constant 0 : i32
    %dma_start3A_369 = tpu.memref_slice %arg5[%multiple_of3A_353, %dma_start3A_368] : memref<1000000x64xi16, #tpu.memory_space<hbm>> -> memref<8x64xi16, #tpu.memory_space<hbm>>
    %dma_start3A_370 = arith.constant 24 : i32
    %dma_start3A_371 = arith.constant 0 : i32
    %dma_start3A_372 = tpu.memref_slice %arg4[%dma_start3A_370, %dma_start3A_371] : memref<32x64xi16, #tpu.memory_space<hbm>> -> memref<8x64xi16, #tpu.memory_space<hbm>>
    tpu.enqueue_dma source(%dma_start3A_372 : memref<8x64xi16, #tpu.memory_space<hbm>>) target(%dma_start3A_369 : memref<8x64xi16, #tpu.memory_space<hbm>>) target_semaphore(%arg6 : memref<!tpu.dma_semaphore, #tpu.memory_space<semaphore_mem>>)
    %ge3A_373 = arith.constant 16384 : i32
    %ge3A_374 = arith.cmpi sge, %max3A_53, %ge3A_373 : i32
    %convert_element_type3A_375 = arith.extui %ge3A_374 : i1 to i32
    %cond3A_376 = arith.constant 0 : i32
    %cond3A_377 = arith.cmpi ne, %convert_element_type3A_375, %cond3A_376 : i32
    scf.if %cond3A_377 {
      %multiple_of3A_645 = tpu.assume_multiple %add3A_55, 8 : i32
      %multiple_of3A_646 = tpu.assume_multiple %mul3A_25, 8 : i32
      %dma_wait3A_647 = arith.constant 0 : i32
      %dma_wait3A_648 = tpu.memref_slice %arg5[%multiple_of3A_646, %dma_wait3A_647] : memref<1000000x64xi16, #tpu.memory_space<hbm>> -> memref<16384x64xi16, #tpu.memory_space<hbm>>
      %dma_wait3A_649 = arith.constant 0 : i32
      %dma_wait3A_650 = tpu.memref_slice %arg3[%multiple_of3A_645, %dma_wait3A_649] : memref<16432x64xi16, #tpu.memory_space<hbm>> -> memref<16384x64xi16, #tpu.memory_space<hbm>>
      tpu.wait_dma2 semaphore(%arg6 : memref<!tpu.dma_semaphore, #tpu.memory_space<semaphore_mem>>) src(%dma_wait3A_650 : memref<16384x64xi16, #tpu.memory_space<hbm>>) dst(%dma_wait3A_648 : memref<16384x64xi16, #tpu.memory_space<hbm>>)
    } else {
    }
    %jit3A_378 = arith.constant 16384 : i32
    %jit3A_379 = arith.constant 0 : i32
    %select_n3A_380 = arith.select %ge3A_374, %jit3A_378, %jit3A_379 : i32
    %add3A_381 = arith.addi %mul3A_25, %select_n3A_380 : i32
    %add3A_382 = arith.addi %add3A_55, %select_n3A_380 : i32
    %sub3A_383 = arith.subi %max3A_53, %select_n3A_380 : i32
    %ge3A_384 = arith.constant 8192 : i32
    %ge3A_385 = arith.cmpi sge, %sub3A_383, %ge3A_384 : i32
    %convert_element_type3A_386 = arith.extui %ge3A_385 : i1 to i32
    %cond3A_387 = arith.constant 0 : i32
    %cond3A_388 = arith.cmpi ne, %convert_element_type3A_386, %cond3A_387 : i32
    scf.if %cond3A_388 {
      %multiple_of3A_645 = tpu.assume_multiple %add3A_382, 8 : i32
      %multiple_of3A_646 = tpu.assume_multiple %add3A_381, 8 : i32
      %dma_wait3A_647 = arith.constant 0 : i32
      %dma_wait3A_648 = tpu.memref_slice %arg5[%multiple_of3A_646, %dma_wait3A_647] : memref<1000000x64xi16, #tpu.memory_space<hbm>> -> memref<8192x64xi16, #tpu.memory_space<hbm>>
      %dma_wait3A_649 = arith.constant 0 : i32
      %dma_wait3A_650 = tpu.memref_slice %arg3[%multiple_of3A_645, %dma_wait3A_649] : memref<16432x64xi16, #tpu.memory_space<hbm>> -> memref<8192x64xi16, #tpu.memory_space<hbm>>
      tpu.wait_dma2 semaphore(%arg6 : memref<!tpu.dma_semaphore, #tpu.memory_space<semaphore_mem>>) src(%dma_wait3A_650 : memref<8192x64xi16, #tpu.memory_space<hbm>>) dst(%dma_wait3A_648 : memref<8192x64xi16, #tpu.memory_space<hbm>>)
    } else {
    }
    %jit3A_389 = arith.constant 8192 : i32
    %jit3A_390 = arith.constant 0 : i32
    %select_n3A_391 = arith.select %ge3A_385, %jit3A_389, %jit3A_390 : i32
    %add3A_392 = arith.addi %add3A_381, %select_n3A_391 : i32
    %add3A_393 = arith.addi %add3A_382, %select_n3A_391 : i32
    %sub3A_394 = arith.subi %sub3A_383, %select_n3A_391 : i32
    %ge3A_395 = arith.constant 4096 : i32
    %ge3A_396 = arith.cmpi sge, %sub3A_394, %ge3A_395 : i32
    %convert_element_type3A_397 = arith.extui %ge3A_396 : i1 to i32
    %cond3A_398 = arith.constant 0 : i32
    %cond3A_399 = arith.cmpi ne, %convert_element_type3A_397, %cond3A_398 : i32
    scf.if %cond3A_399 {
      %multiple_of3A_645 = tpu.assume_multiple %add3A_393, 8 : i32
      %multiple_of3A_646 = tpu.assume_multiple %add3A_392, 8 : i32
      %dma_wait3A_647 = arith.constant 0 : i32
      %dma_wait3A_648 = tpu.memref_slice %arg5[%multiple_of3A_646, %dma_wait3A_647] : memref<1000000x64xi16, #tpu.memory_space<hbm>> -> memref<4096x64xi16, #tpu.memory_space<hbm>>
      %dma_wait3A_649 = arith.constant 0 : i32
      %dma_wait3A_650 = tpu.memref_slice %arg3[%multiple_of3A_645, %dma_wait3A_649] : memref<16432x64xi16, #tpu.memory_space<hbm>> -> memref<4096x64xi16, #tpu.memory_space<hbm>>
      tpu.wait_dma2 semaphore(%arg6 : memref<!tpu.dma_semaphore, #tpu.memory_space<semaphore_mem>>) src(%dma_wait3A_650 : memref<4096x64xi16, #tpu.memory_space<hbm>>) dst(%dma_wait3A_648 : memref<4096x64xi16, #tpu.memory_space<hbm>>)
    } else {
    }
    %jit3A_400 = arith.constant 4096 : i32
    %jit3A_401 = arith.constant 0 : i32
    %select_n3A_402 = arith.select %ge3A_396, %jit3A_400, %jit3A_401 : i32
    %add3A_403 = arith.addi %add3A_392, %select_n3A_402 : i32
    %add3A_404 = arith.addi %add3A_393, %select_n3A_402 : i32
    %sub3A_405 = arith.subi %sub3A_394, %select_n3A_402 : i32
    %ge3A_406 = arith.constant 2048 : i32
    %ge3A_407 = arith.cmpi sge, %sub3A_405, %ge3A_406 : i32
    %convert_element_type3A_408 = arith.extui %ge3A_407 : i1 to i32
    %cond3A_409 = arith.constant 0 : i32
    %cond3A_410 = arith.cmpi ne, %convert_element_type3A_408, %cond3A_409 : i32
    scf.if %cond3A_410 {
      %multiple_of3A_645 = tpu.assume_multiple %add3A_404, 8 : i32
      %multiple_of3A_646 = tpu.assume_multiple %add3A_403, 8 : i32
      %dma_wait3A_647 = arith.constant 0 : i32
      %dma_wait3A_648 = tpu.memref_slice %arg5[%multiple_of3A_646, %dma_wait3A_647] : memref<1000000x64xi16, #tpu.memory_space<hbm>> -> memref<2048x64xi16, #tpu.memory_space<hbm>>
      %dma_wait3A_649 = arith.constant 0 : i32
      %dma_wait3A_650 = tpu.memref_slice %arg3[%multiple_of3A_645, %dma_wait3A_649] : memref<16432x64xi16, #tpu.memory_space<hbm>> -> memref<2048x64xi16, #tpu.memory_space<hbm>>
      tpu.wait_dma2 semaphore(%arg6 : memref<!tpu.dma_semaphore, #tpu.memory_space<semaphore_mem>>) src(%dma_wait3A_650 : memref<2048x64xi16, #tpu.memory_space<hbm>>) dst(%dma_wait3A_648 : memref<2048x64xi16, #tpu.memory_space<hbm>>)
    } else {
    }
    %jit3A_411 = arith.constant 2048 : i32
    %jit3A_412 = arith.constant 0 : i32
    %select_n3A_413 = arith.select %ge3A_407, %jit3A_411, %jit3A_412 : i32
    %add3A_414 = arith.addi %add3A_403, %select_n3A_413 : i32
    %add3A_415 = arith.addi %add3A_404, %select_n3A_413 : i32
    %sub3A_416 = arith.subi %sub3A_405, %select_n3A_413 : i32
    %ge3A_417 = arith.constant 1024 : i32
    %ge3A_418 = arith.cmpi sge, %sub3A_416, %ge3A_417 : i32
    %convert_element_type3A_419 = arith.extui %ge3A_418 : i1 to i32
    %cond3A_420 = arith.constant 0 : i32
    %cond3A_421 = arith.cmpi ne, %convert_element_type3A_419, %cond3A_420 : i32
    scf.if %cond3A_421 {
      %multiple_of3A_645 = tpu.assume_multiple %add3A_415, 8 : i32
      %multiple_of3A_646 = tpu.assume_multiple %add3A_414, 8 : i32
      %dma_wait3A_647 = arith.constant 0 : i32
      %dma_wait3A_648 = tpu.memref_slice %arg5[%multiple_of3A_646, %dma_wait3A_647] : memref<1000000x64xi16, #tpu.memory_space<hbm>> -> memref<1024x64xi16, #tpu.memory_space<hbm>>
      %dma_wait3A_649 = arith.constant 0 : i32
      %dma_wait3A_650 = tpu.memref_slice %arg3[%multiple_of3A_645, %dma_wait3A_649] : memref<16432x64xi16, #tpu.memory_space<hbm>> -> memref<1024x64xi16, #tpu.memory_space<hbm>>
      tpu.wait_dma2 semaphore(%arg6 : memref<!tpu.dma_semaphore, #tpu.memory_space<semaphore_mem>>) src(%dma_wait3A_650 : memref<1024x64xi16, #tpu.memory_space<hbm>>) dst(%dma_wait3A_648 : memref<1024x64xi16, #tpu.memory_space<hbm>>)
    } else {
    }
    %jit3A_422 = arith.constant 1024 : i32
    %jit3A_423 = arith.constant 0 : i32
    %select_n3A_424 = arith.select %ge3A_418, %jit3A_422, %jit3A_423 : i32
    %add3A_425 = arith.addi %add3A_414, %select_n3A_424 : i32
    %add3A_426 = arith.addi %add3A_415, %select_n3A_424 : i32
    %sub3A_427 = arith.subi %sub3A_416, %select_n3A_424 : i32
    %ge3A_428 = arith.constant 512 : i32
    %ge3A_429 = arith.cmpi sge, %sub3A_427, %ge3A_428 : i32
    %convert_element_type3A_430 = arith.extui %ge3A_429 : i1 to i32
    %cond3A_431 = arith.constant 0 : i32
    %cond3A_432 = arith.cmpi ne, %convert_element_type3A_430, %cond3A_431 : i32
    scf.if %cond3A_432 {
      %multiple_of3A_645 = tpu.assume_multiple %add3A_426, 8 : i32
      %multiple_of3A_646 = tpu.assume_multiple %add3A_425, 8 : i32
      %dma_wait3A_647 = arith.constant 0 : i32
      %dma_wait3A_648 = tpu.memref_slice %arg5[%multiple_of3A_646, %dma_wait3A_647] : memref<1000000x64xi16, #tpu.memory_space<hbm>> -> memref<512x64xi16, #tpu.memory_space<hbm>>
      %dma_wait3A_649 = arith.constant 0 : i32
      %dma_wait3A_650 = tpu.memref_slice %arg3[%multiple_of3A_645, %dma_wait3A_649] : memref<16432x64xi16, #tpu.memory_space<hbm>> -> memref<512x64xi16, #tpu.memory_space<hbm>>
      tpu.wait_dma2 semaphore(%arg6 : memref<!tpu.dma_semaphore, #tpu.memory_space<semaphore_mem>>) src(%dma_wait3A_650 : memref<512x64xi16, #tpu.memory_space<hbm>>) dst(%dma_wait3A_648 : memref<512x64xi16, #tpu.memory_space<hbm>>)
    } else {
    }
    %jit3A_433 = arith.constant 512 : i32
    %jit3A_434 = arith.constant 0 : i32
    %select_n3A_435 = arith.select %ge3A_429, %jit3A_433, %jit3A_434 : i32
    %add3A_436 = arith.addi %add3A_425, %select_n3A_435 : i32
    %add3A_437 = arith.addi %add3A_426, %select_n3A_435 : i32
    %sub3A_438 = arith.subi %sub3A_427, %select_n3A_435 : i32
    %ge3A_439 = arith.constant 256 : i32
    %ge3A_440 = arith.cmpi sge, %sub3A_438, %ge3A_439 : i32
    %convert_element_type3A_441 = arith.extui %ge3A_440 : i1 to i32
    %cond3A_442 = arith.constant 0 : i32
    %cond3A_443 = arith.cmpi ne, %convert_element_type3A_441, %cond3A_442 : i32
    scf.if %cond3A_443 {
      %multiple_of3A_645 = tpu.assume_multiple %add3A_437, 8 : i32
      %multiple_of3A_646 = tpu.assume_multiple %add3A_436, 8 : i32
      %dma_wait3A_647 = arith.constant 0 : i32
      %dma_wait3A_648 = tpu.memref_slice %arg5[%multiple_of3A_646, %dma_wait3A_647] : memref<1000000x64xi16, #tpu.memory_space<hbm>> -> memref<256x64xi16, #tpu.memory_space<hbm>>
      %dma_wait3A_649 = arith.constant 0 : i32
      %dma_wait3A_650 = tpu.memref_slice %arg3[%multiple_of3A_645, %dma_wait3A_649] : memref<16432x64xi16, #tpu.memory_space<hbm>> -> memref<256x64xi16, #tpu.memory_space<hbm>>
      tpu.wait_dma2 semaphore(%arg6 : memref<!tpu.dma_semaphore, #tpu.memory_space<semaphore_mem>>) src(%dma_wait3A_650 : memref<256x64xi16, #tpu.memory_space<hbm>>) dst(%dma_wait3A_648 : memref<256x64xi16, #tpu.memory_space<hbm>>)
    } else {
    }
    %jit3A_444 = arith.constant 256 : i32
    %jit3A_445 = arith.constant 0 : i32
    %select_n3A_446 = arith.select %ge3A_440, %jit3A_444, %jit3A_445 : i32
    %add3A_447 = arith.addi %add3A_436, %select_n3A_446 : i32
    %add3A_448 = arith.addi %add3A_437, %select_n3A_446 : i32
    %sub3A_449 = arith.subi %sub3A_438, %select_n3A_446 : i32
    %ge3A_450 = arith.constant 128 : i32
    %ge3A_451 = arith.cmpi sge, %sub3A_449, %ge3A_450 : i32
    %convert_element_type3A_452 = arith.extui %ge3A_451 : i1 to i32
    %cond3A_453 = arith.constant 0 : i32
    %cond3A_454 = arith.cmpi ne, %convert_element_type3A_452, %cond3A_453 : i32
    scf.if %cond3A_454 {
      %multiple_of3A_645 = tpu.assume_multiple %add3A_448, 8 : i32
      %multiple_of3A_646 = tpu.assume_multiple %add3A_447, 8 : i32
      %dma_wait3A_647 = arith.constant 0 : i32
      %dma_wait3A_648 = tpu.memref_slice %arg5[%multiple_of3A_646, %dma_wait3A_647] : memref<1000000x64xi16, #tpu.memory_space<hbm>> -> memref<128x64xi16, #tpu.memory_space<hbm>>
      %dma_wait3A_649 = arith.constant 0 : i32
      %dma_wait3A_650 = tpu.memref_slice %arg3[%multiple_of3A_645, %dma_wait3A_649] : memref<16432x64xi16, #tpu.memory_space<hbm>> -> memref<128x64xi16, #tpu.memory_space<hbm>>
      tpu.wait_dma2 semaphore(%arg6 : memref<!tpu.dma_semaphore, #tpu.memory_space<semaphore_mem>>) src(%dma_wait3A_650 : memref<128x64xi16, #tpu.memory_space<hbm>>) dst(%dma_wait3A_648 : memref<128x64xi16, #tpu.memory_space<hbm>>)
    } else {
    }
    %jit3A_455 = arith.constant 128 : i32
    %jit3A_456 = arith.constant 0 : i32
    %select_n3A_457 = arith.select %ge3A_451, %jit3A_455, %jit3A_456 : i32
    %add3A_458 = arith.addi %add3A_447, %select_n3A_457 : i32
    %add3A_459 = arith.addi %add3A_448, %select_n3A_457 : i32
    %sub3A_460 = arith.subi %sub3A_449, %select_n3A_457 : i32
    %ge3A_461 = arith.constant 64 : i32
    %ge3A_462 = arith.cmpi sge, %sub3A_460, %ge3A_461 : i32
    %convert_element_type3A_463 = arith.extui %ge3A_462 : i1 to i32
    %cond3A_464 = arith.constant 0 : i32
    %cond3A_465 = arith.cmpi ne, %convert_element_type3A_463, %cond3A_464 : i32
    scf.if %cond3A_465 {
      %multiple_of3A_645 = tpu.assume_multiple %add3A_459, 8 : i32
      %multiple_of3A_646 = tpu.assume_multiple %add3A_458, 8 : i32
      %dma_wait3A_647 = arith.constant 0 : i32
      %dma_wait3A_648 = tpu.memref_slice %arg5[%multiple_of3A_646, %dma_wait3A_647] : memref<1000000x64xi16, #tpu.memory_space<hbm>> -> memref<64x64xi16, #tpu.memory_space<hbm>>
      %dma_wait3A_649 = arith.constant 0 : i32
      %dma_wait3A_650 = tpu.memref_slice %arg3[%multiple_of3A_645, %dma_wait3A_649] : memref<16432x64xi16, #tpu.memory_space<hbm>> -> memref<64x64xi16, #tpu.memory_space<hbm>>
      tpu.wait_dma2 semaphore(%arg6 : memref<!tpu.dma_semaphore, #tpu.memory_space<semaphore_mem>>) src(%dma_wait3A_650 : memref<64x64xi16, #tpu.memory_space<hbm>>) dst(%dma_wait3A_648 : memref<64x64xi16, #tpu.memory_space<hbm>>)
    } else {
    }
    %jit3A_466 = arith.constant 64 : i32
    %jit3A_467 = arith.constant 0 : i32
    %select_n3A_468 = arith.select %ge3A_462, %jit3A_466, %jit3A_467 : i32
    %add3A_469 = arith.addi %add3A_458, %select_n3A_468 : i32
    %add3A_470 = arith.addi %add3A_459, %select_n3A_468 : i32
    %sub3A_471 = arith.subi %sub3A_460, %select_n3A_468 : i32
    %ge3A_472 = arith.constant 32 : i32
    %ge3A_473 = arith.cmpi sge, %sub3A_471, %ge3A_472 : i32
    %convert_element_type3A_474 = arith.extui %ge3A_473 : i1 to i32
    %cond3A_475 = arith.constant 0 : i32
    %cond3A_476 = arith.cmpi ne, %convert_element_type3A_474, %cond3A_475 : i32
    scf.if %cond3A_476 {
      %multiple_of3A_645 = tpu.assume_multiple %add3A_470, 8 : i32
      %multiple_of3A_646 = tpu.assume_multiple %add3A_469, 8 : i32
      %dma_wait3A_647 = arith.constant 0 : i32
      %dma_wait3A_648 = tpu.memref_slice %arg5[%multiple_of3A_646, %dma_wait3A_647] : memref<1000000x64xi16, #tpu.memory_space<hbm>> -> memref<32x64xi16, #tpu.memory_space<hbm>>
      %dma_wait3A_649 = arith.constant 0 : i32
      %dma_wait3A_650 = tpu.memref_slice %arg3[%multiple_of3A_645, %dma_wait3A_649] : memref<16432x64xi16, #tpu.memory_space<hbm>> -> memref<32x64xi16, #tpu.memory_space<hbm>>
      tpu.wait_dma2 semaphore(%arg6 : memref<!tpu.dma_semaphore, #tpu.memory_space<semaphore_mem>>) src(%dma_wait3A_650 : memref<32x64xi16, #tpu.memory_space<hbm>>) dst(%dma_wait3A_648 : memref<32x64xi16, #tpu.memory_space<hbm>>)
    } else {
    }
    %jit3A_477 = arith.constant 32 : i32
    %jit3A_478 = arith.constant 0 : i32
    %select_n3A_479 = arith.select %ge3A_473, %jit3A_477, %jit3A_478 : i32
    %add3A_480 = arith.addi %add3A_469, %select_n3A_479 : i32
    %add3A_481 = arith.addi %add3A_470, %select_n3A_479 : i32
    %sub3A_482 = arith.subi %sub3A_471, %select_n3A_479 : i32
    %ge3A_483 = arith.constant 16 : i32
    %ge3A_484 = arith.cmpi sge, %sub3A_482, %ge3A_483 : i32
    %convert_element_type3A_485 = arith.extui %ge3A_484 : i1 to i32
    %cond3A_486 = arith.constant 0 : i32
    %cond3A_487 = arith.cmpi ne, %convert_element_type3A_485, %cond3A_486 : i32
    scf.if %cond3A_487 {
      %multiple_of3A_645 = tpu.assume_multiple %add3A_481, 8 : i32
      %multiple_of3A_646 = tpu.assume_multiple %add3A_480, 8 : i32
      %dma_wait3A_647 = arith.constant 0 : i32
      %dma_wait3A_648 = tpu.memref_slice %arg5[%multiple_of3A_646, %dma_wait3A_647] : memref<1000000x64xi16, #tpu.memory_space<hbm>> -> memref<16x64xi16, #tpu.memory_space<hbm>>
      %dma_wait3A_649 = arith.constant 0 : i32
      %dma_wait3A_650 = tpu.memref_slice %arg3[%multiple_of3A_645, %dma_wait3A_649] : memref<16432x64xi16, #tpu.memory_space<hbm>> -> memref<16x64xi16, #tpu.memory_space<hbm>>
      tpu.wait_dma2 semaphore(%arg6 : memref<!tpu.dma_semaphore, #tpu.memory_space<semaphore_mem>>) src(%dma_wait3A_650 : memref<16x64xi16, #tpu.memory_space<hbm>>) dst(%dma_wait3A_648 : memref<16x64xi16, #tpu.memory_space<hbm>>)
    } else {
    }
    %jit3A_488 = arith.constant 16 : i32
    %jit3A_489 = arith.constant 0 : i32
    %select_n3A_490 = arith.select %ge3A_484, %jit3A_488, %jit3A_489 : i32
    %add3A_491 = arith.addi %add3A_480, %select_n3A_490 : i32
    %add3A_492 = arith.addi %add3A_481, %select_n3A_490 : i32
    %sub3A_493 = arith.subi %sub3A_482, %select_n3A_490 : i32
    %ge3A_494 = arith.constant 8 : i32
    %ge3A_495 = arith.cmpi sge, %sub3A_493, %ge3A_494 : i32
    %convert_element_type3A_496 = arith.extui %ge3A_495 : i1 to i32
    %cond3A_497 = arith.constant 0 : i32
    %cond3A_498 = arith.cmpi ne, %convert_element_type3A_496, %cond3A_497 : i32
    scf.if %cond3A_498 {
      %multiple_of3A_645 = tpu.assume_multiple %add3A_492, 8 : i32
      %multiple_of3A_646 = tpu.assume_multiple %add3A_491, 8 : i32
      %dma_wait3A_647 = arith.constant 0 : i32
      %dma_wait3A_648 = tpu.memref_slice %arg5[%multiple_of3A_646, %dma_wait3A_647] : memref<1000000x64xi16, #tpu.memory_space<hbm>> -> memref<8x64xi16, #tpu.memory_space<hbm>>
      %dma_wait3A_649 = arith.constant 0 : i32
      %dma_wait3A_650 = tpu.memref_slice %arg3[%multiple_of3A_645, %dma_wait3A_649] : memref<16432x64xi16, #tpu.memory_space<hbm>> -> memref<8x64xi16, #tpu.memory_space<hbm>>
      tpu.wait_dma2 semaphore(%arg6 : memref<!tpu.dma_semaphore, #tpu.memory_space<semaphore_mem>>) src(%dma_wait3A_650 : memref<8x64xi16, #tpu.memory_space<hbm>>) dst(%dma_wait3A_648 : memref<8x64xi16, #tpu.memory_space<hbm>>)
    } else {
    }
    %ge3A_499 = arith.constant 16384 : i32
    %ge3A_500 = arith.cmpi sge, %max3A_90, %ge3A_499 : i32
    %convert_element_type3A_501 = arith.extui %ge3A_500 : i1 to i32
    %cond3A_502 = arith.constant 0 : i32
    %cond3A_503 = arith.cmpi ne, %convert_element_type3A_501, %cond3A_502 : i32
    scf.if %cond3A_503 {
      %multiple_of3A_645 = tpu.assume_multiple %add3A_92, 8 : i32
      %multiple_of3A_646 = arith.constant 0 : i32
      %multiple_of3A_647 = tpu.assume_multiple %multiple_of3A_646, 8 : i32
      %dma_wait3A_648 = arith.constant 0 : i32
      %dma_wait3A_649 = tpu.memref_slice %arg5[%multiple_of3A_647, %dma_wait3A_648] : memref<1000000x64xi16, #tpu.memory_space<hbm>> -> memref<16384x64xi16, #tpu.memory_space<hbm>>
      %dma_wait3A_650 = arith.constant 0 : i32
      %dma_wait3A_651 = tpu.memref_slice %arg3[%multiple_of3A_645, %dma_wait3A_650] : memref<16432x64xi16, #tpu.memory_space<hbm>> -> memref<16384x64xi16, #tpu.memory_space<hbm>>
      tpu.wait_dma2 semaphore(%arg6 : memref<!tpu.dma_semaphore, #tpu.memory_space<semaphore_mem>>) src(%dma_wait3A_651 : memref<16384x64xi16, #tpu.memory_space<hbm>>) dst(%dma_wait3A_649 : memref<16384x64xi16, #tpu.memory_space<hbm>>)
    } else {
    }
    %jit3A_504 = arith.constant 16384 : i32
    %jit3A_505 = arith.constant 0 : i32
    %select_n3A_506 = arith.select %ge3A_500, %jit3A_504, %jit3A_505 : i32
    %add3A_507 = arith.constant 0 : i32
    %add3A_508 = arith.addi %add3A_507, %select_n3A_506 : i32
    %add3A_509 = arith.addi %add3A_92, %select_n3A_506 : i32
    %sub3A_510 = arith.subi %max3A_90, %select_n3A_506 : i32
    %ge3A_511 = arith.constant 8192 : i32
    %ge3A_512 = arith.cmpi sge, %sub3A_510, %ge3A_511 : i32
    %convert_element_type3A_513 = arith.extui %ge3A_512 : i1 to i32
    %cond3A_514 = arith.constant 0 : i32
    %cond3A_515 = arith.cmpi ne, %convert_element_type3A_513, %cond3A_514 : i32
    scf.if %cond3A_515 {
      %multiple_of3A_645 = tpu.assume_multiple %add3A_509, 8 : i32
      %multiple_of3A_646 = tpu.assume_multiple %add3A_508, 8 : i32
      %dma_wait3A_647 = arith.constant 0 : i32
      %dma_wait3A_648 = tpu.memref_slice %arg5[%multiple_of3A_646, %dma_wait3A_647] : memref<1000000x64xi16, #tpu.memory_space<hbm>> -> memref<8192x64xi16, #tpu.memory_space<hbm>>
      %dma_wait3A_649 = arith.constant 0 : i32
      %dma_wait3A_650 = tpu.memref_slice %arg3[%multiple_of3A_645, %dma_wait3A_649] : memref<16432x64xi16, #tpu.memory_space<hbm>> -> memref<8192x64xi16, #tpu.memory_space<hbm>>
      tpu.wait_dma2 semaphore(%arg6 : memref<!tpu.dma_semaphore, #tpu.memory_space<semaphore_mem>>) src(%dma_wait3A_650 : memref<8192x64xi16, #tpu.memory_space<hbm>>) dst(%dma_wait3A_648 : memref<8192x64xi16, #tpu.memory_space<hbm>>)
    } else {
    }
    %jit3A_516 = arith.constant 8192 : i32
    %jit3A_517 = arith.constant 0 : i32
    %select_n3A_518 = arith.select %ge3A_512, %jit3A_516, %jit3A_517 : i32
    %add3A_519 = arith.addi %add3A_508, %select_n3A_518 : i32
    %add3A_520 = arith.addi %add3A_509, %select_n3A_518 : i32
    %sub3A_521 = arith.subi %sub3A_510, %select_n3A_518 : i32
    %ge3A_522 = arith.constant 4096 : i32
    %ge3A_523 = arith.cmpi sge, %sub3A_521, %ge3A_522 : i32
    %convert_element_type3A_524 = arith.extui %ge3A_523 : i1 to i32
    %cond3A_525 = arith.constant 0 : i32
    %cond3A_526 = arith.cmpi ne, %convert_element_type3A_524, %cond3A_525 : i32
    scf.if %cond3A_526 {
      %multiple_of3A_645 = tpu.assume_multiple %add3A_520, 8 : i32
      %multiple_of3A_646 = tpu.assume_multiple %add3A_519, 8 : i32
      %dma_wait3A_647 = arith.constant 0 : i32
      %dma_wait3A_648 = tpu.memref_slice %arg5[%multiple_of3A_646, %dma_wait3A_647] : memref<1000000x64xi16, #tpu.memory_space<hbm>> -> memref<4096x64xi16, #tpu.memory_space<hbm>>
      %dma_wait3A_649 = arith.constant 0 : i32
      %dma_wait3A_650 = tpu.memref_slice %arg3[%multiple_of3A_645, %dma_wait3A_649] : memref<16432x64xi16, #tpu.memory_space<hbm>> -> memref<4096x64xi16, #tpu.memory_space<hbm>>
      tpu.wait_dma2 semaphore(%arg6 : memref<!tpu.dma_semaphore, #tpu.memory_space<semaphore_mem>>) src(%dma_wait3A_650 : memref<4096x64xi16, #tpu.memory_space<hbm>>) dst(%dma_wait3A_648 : memref<4096x64xi16, #tpu.memory_space<hbm>>)
    } else {
    }
    %jit3A_527 = arith.constant 4096 : i32
    %jit3A_528 = arith.constant 0 : i32
    %select_n3A_529 = arith.select %ge3A_523, %jit3A_527, %jit3A_528 : i32
    %add3A_530 = arith.addi %add3A_519, %select_n3A_529 : i32
    %add3A_531 = arith.addi %add3A_520, %select_n3A_529 : i32
    %sub3A_532 = arith.subi %sub3A_521, %select_n3A_529 : i32
    %ge3A_533 = arith.constant 2048 : i32
    %ge3A_534 = arith.cmpi sge, %sub3A_532, %ge3A_533 : i32
    %convert_element_type3A_535 = arith.extui %ge3A_534 : i1 to i32
    %cond3A_536 = arith.constant 0 : i32
    %cond3A_537 = arith.cmpi ne, %convert_element_type3A_535, %cond3A_536 : i32
    scf.if %cond3A_537 {
      %multiple_of3A_645 = tpu.assume_multiple %add3A_531, 8 : i32
      %multiple_of3A_646 = tpu.assume_multiple %add3A_530, 8 : i32
      %dma_wait3A_647 = arith.constant 0 : i32
      %dma_wait3A_648 = tpu.memref_slice %arg5[%multiple_of3A_646, %dma_wait3A_647] : memref<1000000x64xi16, #tpu.memory_space<hbm>> -> memref<2048x64xi16, #tpu.memory_space<hbm>>
      %dma_wait3A_649 = arith.constant 0 : i32
      %dma_wait3A_650 = tpu.memref_slice %arg3[%multiple_of3A_645, %dma_wait3A_649] : memref<16432x64xi16, #tpu.memory_space<hbm>> -> memref<2048x64xi16, #tpu.memory_space<hbm>>
      tpu.wait_dma2 semaphore(%arg6 : memref<!tpu.dma_semaphore, #tpu.memory_space<semaphore_mem>>) src(%dma_wait3A_650 : memref<2048x64xi16, #tpu.memory_space<hbm>>) dst(%dma_wait3A_648 : memref<2048x64xi16, #tpu.memory_space<hbm>>)
    } else {
    }
    %jit3A_538 = arith.constant 2048 : i32
    %jit3A_539 = arith.constant 0 : i32
    %select_n3A_540 = arith.select %ge3A_534, %jit3A_538, %jit3A_539 : i32
    %add3A_541 = arith.addi %add3A_530, %select_n3A_540 : i32
    %add3A_542 = arith.addi %add3A_531, %select_n3A_540 : i32
    %sub3A_543 = arith.subi %sub3A_532, %select_n3A_540 : i32
    %ge3A_544 = arith.constant 1024 : i32
    %ge3A_545 = arith.cmpi sge, %sub3A_543, %ge3A_544 : i32
    %convert_element_type3A_546 = arith.extui %ge3A_545 : i1 to i32
    %cond3A_547 = arith.constant 0 : i32
    %cond3A_548 = arith.cmpi ne, %convert_element_type3A_546, %cond3A_547 : i32
    scf.if %cond3A_548 {
      %multiple_of3A_645 = tpu.assume_multiple %add3A_542, 8 : i32
      %multiple_of3A_646 = tpu.assume_multiple %add3A_541, 8 : i32
      %dma_wait3A_647 = arith.constant 0 : i32
      %dma_wait3A_648 = tpu.memref_slice %arg5[%multiple_of3A_646, %dma_wait3A_647] : memref<1000000x64xi16, #tpu.memory_space<hbm>> -> memref<1024x64xi16, #tpu.memory_space<hbm>>
      %dma_wait3A_649 = arith.constant 0 : i32
      %dma_wait3A_650 = tpu.memref_slice %arg3[%multiple_of3A_645, %dma_wait3A_649] : memref<16432x64xi16, #tpu.memory_space<hbm>> -> memref<1024x64xi16, #tpu.memory_space<hbm>>
      tpu.wait_dma2 semaphore(%arg6 : memref<!tpu.dma_semaphore, #tpu.memory_space<semaphore_mem>>) src(%dma_wait3A_650 : memref<1024x64xi16, #tpu.memory_space<hbm>>) dst(%dma_wait3A_648 : memref<1024x64xi16, #tpu.memory_space<hbm>>)
    } else {
    }
    %jit3A_549 = arith.constant 1024 : i32
    %jit3A_550 = arith.constant 0 : i32
    %select_n3A_551 = arith.select %ge3A_545, %jit3A_549, %jit3A_550 : i32
    %add3A_552 = arith.addi %add3A_541, %select_n3A_551 : i32
    %add3A_553 = arith.addi %add3A_542, %select_n3A_551 : i32
    %sub3A_554 = arith.subi %sub3A_543, %select_n3A_551 : i32
    %ge3A_555 = arith.constant 512 : i32
    %ge3A_556 = arith.cmpi sge, %sub3A_554, %ge3A_555 : i32
    %convert_element_type3A_557 = arith.extui %ge3A_556 : i1 to i32
    %cond3A_558 = arith.constant 0 : i32
    %cond3A_559 = arith.cmpi ne, %convert_element_type3A_557, %cond3A_558 : i32
    scf.if %cond3A_559 {
      %multiple_of3A_645 = tpu.assume_multiple %add3A_553, 8 : i32
      %multiple_of3A_646 = tpu.assume_multiple %add3A_552, 8 : i32
      %dma_wait3A_647 = arith.constant 0 : i32
      %dma_wait3A_648 = tpu.memref_slice %arg5[%multiple_of3A_646, %dma_wait3A_647] : memref<1000000x64xi16, #tpu.memory_space<hbm>> -> memref<512x64xi16, #tpu.memory_space<hbm>>
      %dma_wait3A_649 = arith.constant 0 : i32
      %dma_wait3A_650 = tpu.memref_slice %arg3[%multiple_of3A_645, %dma_wait3A_649] : memref<16432x64xi16, #tpu.memory_space<hbm>> -> memref<512x64xi16, #tpu.memory_space<hbm>>
      tpu.wait_dma2 semaphore(%arg6 : memref<!tpu.dma_semaphore, #tpu.memory_space<semaphore_mem>>) src(%dma_wait3A_650 : memref<512x64xi16, #tpu.memory_space<hbm>>) dst(%dma_wait3A_648 : memref<512x64xi16, #tpu.memory_space<hbm>>)
    } else {
    }
    %jit3A_560 = arith.constant 512 : i32
    %jit3A_561 = arith.constant 0 : i32
    %select_n3A_562 = arith.select %ge3A_556, %jit3A_560, %jit3A_561 : i32
    %add3A_563 = arith.addi %add3A_552, %select_n3A_562 : i32
    %add3A_564 = arith.addi %add3A_553, %select_n3A_562 : i32
    %sub3A_565 = arith.subi %sub3A_554, %select_n3A_562 : i32
    %ge3A_566 = arith.constant 256 : i32
    %ge3A_567 = arith.cmpi sge, %sub3A_565, %ge3A_566 : i32
    %convert_element_type3A_568 = arith.extui %ge3A_567 : i1 to i32
    %cond3A_569 = arith.constant 0 : i32
    %cond3A_570 = arith.cmpi ne, %convert_element_type3A_568, %cond3A_569 : i32
    scf.if %cond3A_570 {
      %multiple_of3A_645 = tpu.assume_multiple %add3A_564, 8 : i32
      %multiple_of3A_646 = tpu.assume_multiple %add3A_563, 8 : i32
      %dma_wait3A_647 = arith.constant 0 : i32
      %dma_wait3A_648 = tpu.memref_slice %arg5[%multiple_of3A_646, %dma_wait3A_647] : memref<1000000x64xi16, #tpu.memory_space<hbm>> -> memref<256x64xi16, #tpu.memory_space<hbm>>
      %dma_wait3A_649 = arith.constant 0 : i32
      %dma_wait3A_650 = tpu.memref_slice %arg3[%multiple_of3A_645, %dma_wait3A_649] : memref<16432x64xi16, #tpu.memory_space<hbm>> -> memref<256x64xi16, #tpu.memory_space<hbm>>
      tpu.wait_dma2 semaphore(%arg6 : memref<!tpu.dma_semaphore, #tpu.memory_space<semaphore_mem>>) src(%dma_wait3A_650 : memref<256x64xi16, #tpu.memory_space<hbm>>) dst(%dma_wait3A_648 : memref<256x64xi16, #tpu.memory_space<hbm>>)
    } else {
    }
    %jit3A_571 = arith.constant 256 : i32
    %jit3A_572 = arith.constant 0 : i32
    %select_n3A_573 = arith.select %ge3A_567, %jit3A_571, %jit3A_572 : i32
    %add3A_574 = arith.addi %add3A_563, %select_n3A_573 : i32
    %add3A_575 = arith.addi %add3A_564, %select_n3A_573 : i32
    %sub3A_576 = arith.subi %sub3A_565, %select_n3A_573 : i32
    %ge3A_577 = arith.constant 128 : i32
    %ge3A_578 = arith.cmpi sge, %sub3A_576, %ge3A_577 : i32
    %convert_element_type3A_579 = arith.extui %ge3A_578 : i1 to i32
    %cond3A_580 = arith.constant 0 : i32
    %cond3A_581 = arith.cmpi ne, %convert_element_type3A_579, %cond3A_580 : i32
    scf.if %cond3A_581 {
      %multiple_of3A_645 = tpu.assume_multiple %add3A_575, 8 : i32
      %multiple_of3A_646 = tpu.assume_multiple %add3A_574, 8 : i32
      %dma_wait3A_647 = arith.constant 0 : i32
      %dma_wait3A_648 = tpu.memref_slice %arg5[%multiple_of3A_646, %dma_wait3A_647] : memref<1000000x64xi16, #tpu.memory_space<hbm>> -> memref<128x64xi16, #tpu.memory_space<hbm>>
      %dma_wait3A_649 = arith.constant 0 : i32
      %dma_wait3A_650 = tpu.memref_slice %arg3[%multiple_of3A_645, %dma_wait3A_649] : memref<16432x64xi16, #tpu.memory_space<hbm>> -> memref<128x64xi16, #tpu.memory_space<hbm>>
      tpu.wait_dma2 semaphore(%arg6 : memref<!tpu.dma_semaphore, #tpu.memory_space<semaphore_mem>>) src(%dma_wait3A_650 : memref<128x64xi16, #tpu.memory_space<hbm>>) dst(%dma_wait3A_648 : memref<128x64xi16, #tpu.memory_space<hbm>>)
    } else {
    }
    %jit3A_582 = arith.constant 128 : i32
    %jit3A_583 = arith.constant 0 : i32
    %select_n3A_584 = arith.select %ge3A_578, %jit3A_582, %jit3A_583 : i32
    %add3A_585 = arith.addi %add3A_574, %select_n3A_584 : i32
    %add3A_586 = arith.addi %add3A_575, %select_n3A_584 : i32
    %sub3A_587 = arith.subi %sub3A_576, %select_n3A_584 : i32
    %ge3A_588 = arith.constant 64 : i32
    %ge3A_589 = arith.cmpi sge, %sub3A_587, %ge3A_588 : i32
    %convert_element_type3A_590 = arith.extui %ge3A_589 : i1 to i32
    %cond3A_591 = arith.constant 0 : i32
    %cond3A_592 = arith.cmpi ne, %convert_element_type3A_590, %cond3A_591 : i32
    scf.if %cond3A_592 {
      %multiple_of3A_645 = tpu.assume_multiple %add3A_586, 8 : i32
      %multiple_of3A_646 = tpu.assume_multiple %add3A_585, 8 : i32
      %dma_wait3A_647 = arith.constant 0 : i32
      %dma_wait3A_648 = tpu.memref_slice %arg5[%multiple_of3A_646, %dma_wait3A_647] : memref<1000000x64xi16, #tpu.memory_space<hbm>> -> memref<64x64xi16, #tpu.memory_space<hbm>>
      %dma_wait3A_649 = arith.constant 0 : i32
      %dma_wait3A_650 = tpu.memref_slice %arg3[%multiple_of3A_645, %dma_wait3A_649] : memref<16432x64xi16, #tpu.memory_space<hbm>> -> memref<64x64xi16, #tpu.memory_space<hbm>>
      tpu.wait_dma2 semaphore(%arg6 : memref<!tpu.dma_semaphore, #tpu.memory_space<semaphore_mem>>) src(%dma_wait3A_650 : memref<64x64xi16, #tpu.memory_space<hbm>>) dst(%dma_wait3A_648 : memref<64x64xi16, #tpu.memory_space<hbm>>)
    } else {
    }
    %jit3A_593 = arith.constant 64 : i32
    %jit3A_594 = arith.constant 0 : i32
    %select_n3A_595 = arith.select %ge3A_589, %jit3A_593, %jit3A_594 : i32
    %add3A_596 = arith.addi %add3A_585, %select_n3A_595 : i32
    %add3A_597 = arith.addi %add3A_586, %select_n3A_595 : i32
    %sub3A_598 = arith.subi %sub3A_587, %select_n3A_595 : i32
    %ge3A_599 = arith.constant 32 : i32
    %ge3A_600 = arith.cmpi sge, %sub3A_598, %ge3A_599 : i32
    %convert_element_type3A_601 = arith.extui %ge3A_600 : i1 to i32
    %cond3A_602 = arith.constant 0 : i32
    %cond3A_603 = arith.cmpi ne, %convert_element_type3A_601, %cond3A_602 : i32
    scf.if %cond3A_603 {
      %multiple_of3A_645 = tpu.assume_multiple %add3A_597, 8 : i32
      %multiple_of3A_646 = tpu.assume_multiple %add3A_596, 8 : i32
      %dma_wait3A_647 = arith.constant 0 : i32
      %dma_wait3A_648 = tpu.memref_slice %arg5[%multiple_of3A_646, %dma_wait3A_647] : memref<1000000x64xi16, #tpu.memory_space<hbm>> -> memref<32x64xi16, #tpu.memory_space<hbm>>
      %dma_wait3A_649 = arith.constant 0 : i32
      %dma_wait3A_650 = tpu.memref_slice %arg3[%multiple_of3A_645, %dma_wait3A_649] : memref<16432x64xi16, #tpu.memory_space<hbm>> -> memref<32x64xi16, #tpu.memory_space<hbm>>
      tpu.wait_dma2 semaphore(%arg6 : memref<!tpu.dma_semaphore, #tpu.memory_space<semaphore_mem>>) src(%dma_wait3A_650 : memref<32x64xi16, #tpu.memory_space<hbm>>) dst(%dma_wait3A_648 : memref<32x64xi16, #tpu.memory_space<hbm>>)
    } else {
    }
    %jit3A_604 = arith.constant 32 : i32
    %jit3A_605 = arith.constant 0 : i32
    %select_n3A_606 = arith.select %ge3A_600, %jit3A_604, %jit3A_605 : i32
    %add3A_607 = arith.addi %add3A_596, %select_n3A_606 : i32
    %add3A_608 = arith.addi %add3A_597, %select_n3A_606 : i32
    %sub3A_609 = arith.subi %sub3A_598, %select_n3A_606 : i32
    %ge3A_610 = arith.constant 16 : i32
    %ge3A_611 = arith.cmpi sge, %sub3A_609, %ge3A_610 : i32
    %convert_element_type3A_612 = arith.extui %ge3A_611 : i1 to i32
    %cond3A_613 = arith.constant 0 : i32
    %cond3A_614 = arith.cmpi ne, %convert_element_type3A_612, %cond3A_613 : i32
    scf.if %cond3A_614 {
      %multiple_of3A_645 = tpu.assume_multiple %add3A_608, 8 : i32
      %multiple_of3A_646 = tpu.assume_multiple %add3A_607, 8 : i32
      %dma_wait3A_647 = arith.constant 0 : i32
      %dma_wait3A_648 = tpu.memref_slice %arg5[%multiple_of3A_646, %dma_wait3A_647] : memref<1000000x64xi16, #tpu.memory_space<hbm>> -> memref<16x64xi16, #tpu.memory_space<hbm>>
      %dma_wait3A_649 = arith.constant 0 : i32
      %dma_wait3A_650 = tpu.memref_slice %arg3[%multiple_of3A_645, %dma_wait3A_649] : memref<16432x64xi16, #tpu.memory_space<hbm>> -> memref<16x64xi16, #tpu.memory_space<hbm>>
      tpu.wait_dma2 semaphore(%arg6 : memref<!tpu.dma_semaphore, #tpu.memory_space<semaphore_mem>>) src(%dma_wait3A_650 : memref<16x64xi16, #tpu.memory_space<hbm>>) dst(%dma_wait3A_648 : memref<16x64xi16, #tpu.memory_space<hbm>>)
    } else {
    }
    %jit3A_615 = arith.constant 16 : i32
    %jit3A_616 = arith.constant 0 : i32
    %select_n3A_617 = arith.select %ge3A_611, %jit3A_615, %jit3A_616 : i32
    %add3A_618 = arith.addi %add3A_607, %select_n3A_617 : i32
    %add3A_619 = arith.addi %add3A_608, %select_n3A_617 : i32
    %sub3A_620 = arith.subi %sub3A_609, %select_n3A_617 : i32
    %ge3A_621 = arith.constant 8 : i32
    %ge3A_622 = arith.cmpi sge, %sub3A_620, %ge3A_621 : i32
    %convert_element_type3A_623 = arith.extui %ge3A_622 : i1 to i32
    %cond3A_624 = arith.constant 0 : i32
    %cond3A_625 = arith.cmpi ne, %convert_element_type3A_623, %cond3A_624 : i32
    scf.if %cond3A_625 {
      %multiple_of3A_645 = tpu.assume_multiple %add3A_619, 8 : i32
      %multiple_of3A_646 = tpu.assume_multiple %add3A_618, 8 : i32
      %dma_wait3A_647 = arith.constant 0 : i32
      %dma_wait3A_648 = tpu.memref_slice %arg5[%multiple_of3A_646, %dma_wait3A_647] : memref<1000000x64xi16, #tpu.memory_space<hbm>> -> memref<8x64xi16, #tpu.memory_space<hbm>>
      %dma_wait3A_649 = arith.constant 0 : i32
      %dma_wait3A_650 = tpu.memref_slice %arg3[%multiple_of3A_645, %dma_wait3A_649] : memref<16432x64xi16, #tpu.memory_space<hbm>> -> memref<8x64xi16, #tpu.memory_space<hbm>>
      tpu.wait_dma2 semaphore(%arg6 : memref<!tpu.dma_semaphore, #tpu.memory_space<semaphore_mem>>) src(%dma_wait3A_650 : memref<8x64xi16, #tpu.memory_space<hbm>>) dst(%dma_wait3A_648 : memref<8x64xi16, #tpu.memory_space<hbm>>)
    } else {
    }
    %dma_wait3A = arith.constant 0 : i32
    %dma_wait3A_626 = tpu.memref_slice %arg5[%multiple_of3A, %dma_wait3A] : memref<1000000x64xi16, #tpu.memory_space<hbm>> -> memref<8x64xi16, #tpu.memory_space<hbm>>
    %dma_wait3A_627 = arith.constant 0 : i32
    %dma_wait3A_628 = arith.constant 0 : i32
    %dma_wait3A_629 = tpu.memref_slice %arg4[%dma_wait3A_627, %dma_wait3A_628] : memref<32x64xi16, #tpu.memory_space<hbm>> -> memref<8x64xi16, #tpu.memory_space<hbm>>
    tpu.wait_dma2 semaphore(%arg6 : memref<!tpu.dma_semaphore, #tpu.memory_space<semaphore_mem>>) src(%dma_wait3A_629 : memref<8x64xi16, #tpu.memory_space<hbm>>) dst(%dma_wait3A_626 : memref<8x64xi16, #tpu.memory_space<hbm>>)
    %dma_wait3A_630 = arith.constant 0 : i32
    %dma_wait3A_631 = tpu.memref_slice %arg5[%multiple_of3A_347, %dma_wait3A_630] : memref<1000000x64xi16, #tpu.memory_space<hbm>> -> memref<8x64xi16, #tpu.memory_space<hbm>>
    %dma_wait3A_632 = arith.constant 8 : i32
    %dma_wait3A_633 = arith.constant 0 : i32
    %dma_wait3A_634 = tpu.memref_slice %arg4[%dma_wait3A_632, %dma_wait3A_633] : memref<32x64xi16, #tpu.memory_space<hbm>> -> memref<8x64xi16, #tpu.memory_space<hbm>>
    tpu.wait_dma2 semaphore(%arg6 : memref<!tpu.dma_semaphore, #tpu.memory_space<semaphore_mem>>) src(%dma_wait3A_634 : memref<8x64xi16, #tpu.memory_space<hbm>>) dst(%dma_wait3A_631 : memref<8x64xi16, #tpu.memory_space<hbm>>)
    %dma_wait3A_635 = arith.constant 0 : i32
    %dma_wait3A_636 = tpu.memref_slice %arg5[%multiple_of3A_350, %dma_wait3A_635] : memref<1000000x64xi16, #tpu.memory_space<hbm>> -> memref<8x64xi16, #tpu.memory_space<hbm>>
    %dma_wait3A_637 = arith.constant 16 : i32
    %dma_wait3A_638 = arith.constant 0 : i32
    %dma_wait3A_639 = tpu.memref_slice %arg4[%dma_wait3A_637, %dma_wait3A_638] : memref<32x64xi16, #tpu.memory_space<hbm>> -> memref<8x64xi16, #tpu.memory_space<hbm>>
    tpu.wait_dma2 semaphore(%arg6 : memref<!tpu.dma_semaphore, #tpu.memory_space<semaphore_mem>>) src(%dma_wait3A_639 : memref<8x64xi16, #tpu.memory_space<hbm>>) dst(%dma_wait3A_636 : memref<8x64xi16, #tpu.memory_space<hbm>>)
    %dma_wait3A_640 = arith.constant 0 : i32
    %dma_wait3A_641 = tpu.memref_slice %arg5[%multiple_of3A_353, %dma_wait3A_640] : memref<1000000x64xi16, #tpu.memory_space<hbm>> -> memref<8x64xi16, #tpu.memory_space<hbm>>
    %dma_wait3A_642 = arith.constant 24 : i32
    %dma_wait3A_643 = arith.constant 0 : i32
    %dma_wait3A_644 = tpu.memref_slice %arg4[%dma_wait3A_642, %dma_wait3A_643] : memref<32x64xi16, #tpu.memory_space<hbm>> -> memref<8x64xi16, #tpu.memory_space<hbm>>
    tpu.wait_dma2 semaphore(%arg6 : memref<!tpu.dma_semaphore, #tpu.memory_space<semaphore_mem>>) src(%dma_wait3A_644 : memref<8x64xi16, #tpu.memory_space<hbm>>) dst(%dma_wait3A_641 : memref<8x64xi16, #tpu.memory_space<hbm>>)
    return
  }
}

</mosaic_0001>

<sc_bundles>
// kernel: sparse-core-data-format-call.cloned.1.call-start
scs
called_computation_lowered:
.L_overlay_start_0:
0x0: {  	s2 =	sld [smem:$0x3FD9]  }
0x1: {  	s3 =	sld [smem:$0x3FFE];
	_ =	sdelay $0x1  }
0x2: {  	s1 =	srdreg.scid  }
0x3: {  	s0 =	sand.u32 $0x1, s1  }
0x4: {  	s15 =	sshll.u32 s0, $0xA;
	s2 =	sadd.s32 s3, s2  }
0x5: {  	s2 =	sadd.s32 s2, s15  }
0x6: {  	[smem:$0x3FC4] =	sst s2  }
0x7: {  	_ = 	snop  }
0x8: {  	s2 =	sld [smem:$0x3FD0];
	_ =	sdelay $0x2  }
0x9: {  	s16 =	simm.s32 $0xA;
	s4 =	simm.s32 $0x10  }
0xa: {  	[smem:s4], [sflag:s16] =	dma.local [hbm:s2], $0x1  }
0xb: {  	_ =	swait.eq [sflag:s16], $0x1  }
0xc: {  	[sflag:s16] =	ssyncset.done $0x0  }
0xd: {  	[sflag:s16] =	ssyncadd.s32 $0xFFFFFFFF  }
0xe: {  	s17 =	sld [smem:$0x10];
	(tm) =	ssettm $0x1  }
0xf: {  	s18 =	sld [smem:$0x3FFB];
	_ =	sdelay $0x3  }
0x10: {  	_ =	strace s18  }
0x11: {  	s3 =	sld [smem:$0x3FFC];
	_ =	sdelay $0x3  }
0x12: {  	_ =	strace s3  }
0x13: {  	s3 =	sld [smem:$0x3FFD];
	_ =	sdelay $0x3  }
0x14: {  	_ =	strace s3  }
0x15: {  	_ =	strace $0x8FFFFFFF  }
0x16: {  	s19 =	sld [smem:$0x3FDB];
	_ =	sdelay $0x1  }
0x17: {  	s20 =	simm.s32 $_scs_section_size  }
0x18: {  	s5 =	simm.s32 $_size__tile_overlayer_lowered;
	s6 =	simm.s32 $_tile_overlayer_lowered  }
0x19: {  	s23 =	simm.s32 $0x1BFF;
	s22 =	sshll.u32 s6, $0x1;
	s3 =	sadd.s32 s20, s19  }
0x1a: {  	s7 =	simm.s32 $0x0;
	s21 =	sshll.u32 s5, $0x1;
	s5 =	sadd.s32 s22, s3  }
0x1b: {  	[timem:s7], [sflag:s23] =	dma.local [hbm:s5], s21  }
0x1c: {  	_ =	swait.ge [sflag:s23], s21  }
0x1d: {  	s4 =	ssub.s32 $0x0, s21;
	[sflag:s23] =	ssyncset.done $0x0  }
0x1e: {  	[sflag:s23] =	ssyncadd.s32 s4;
	_ =	sdelay $0x1  }
0x1f: {  	s24 =	simm.s32 $0x1B8B  }
0x20: {  	_ =	swait.ge [sflag:s24], $0x1  }
0x21: {  	[sflag:s24] =	ssyncset.done $0x0  }
0x22: {  	s26 =	simm.s32 $0x1B8E;
	s25 =	sld [smem:$0x3FFE];
	[sflag:s24] =	ssyncadd.s32 $0xFFFFFFFF  }
0x23: {  	s27 =	simm.s32 $execute0_lowered;
	[smem:$0x3FD2] =	sst s26  }
0x24: {  	s5 =	sshll.u32 s27, $0x1;
	_ =	strace $0x80000046;
	[dreg:$0x1] =	wrdreg $0xFFFFFFFF  }
0x25: {  	s28 =	simm.s32 $_size_execute0_lowered;
	s3 =	sadd.s32 s3, s5;
	[dreg:$0x0] =	wrdreg $0x0  }
0x26: {  	s5 =	sshll.u32 s28, $0x1;
	[dreg:$0x2] =	wrdreg s3  }
0x27: {  	[dreg:$0x3] =	wrdreg s5  }
0x28: {  	[dreg:$0x4] =	wrdreg $0xC0  }
0x29: {  	_ =	task [dreg:s7], $0x5FFFF  }
0x2a: {  	[dreg:$0x1] =	wrdreg $0xFFFFFFFF  }
0x2b: {  	[dreg:$0x0] =	wrdreg $0x60  }
0x2c: {  	[dreg:$0x2] =	wrdreg s25  }
0x2d: {  	[dreg:$0x3] =	wrdreg s17  }
0x2e: {  	[dreg:$0x4] =	wrdreg $0x9  }
0x2f: {  	_ =	task.clear_ibuf [dreg:s7], $0x5FFFF;
	_ =	strace $0x90000046  }
0x30: {  	s29 =	simm.s32 $0x9;
	_ =	strace $0x80000048  }
0x31: {  	_ =	swait.ge [sflag:s29], $0x1  }
0x32: {  	[sflag:s29] =	ssyncadd.s32 $0xFFFFFFFF  }
0x33: {  	_ =	strace $0x90000048  }
0x34: {  	_ =	sfence  }
0x35: {  	s30 =	sld [smem:$0x0];
	_ =	sdelay $0x2  }
0x36: {  	s31 =	sshll.u32 s1, $0xD;
	s1 =	sshrl.u32 s1, $0x2  }
0x37: {  	s3 =	sand.u32 $0x4000, s31;
	s1 =	sadd.s32 s1, s30  }
0x38: {  	s0 =	sor.u32 s3, s0;
	s1 =	sshll.u32 s1, $0x11  }
0x39: {  	s0 =	sor.u32 s1, s0  }
0x3a: {  	s0 =	sadd.s32 $0x8F2B, s0  }
0x3b: {  	[sflag:s0] =	ssyncadd.remote.s32 $0x1  }
0x3c: {  	_ =	sfence.sel $0xFFFF  }
0x3d: {  	[dreg:$0x0] =	wrdreg $0xFFFFFFFF;
	(pc) =	sbr.abs _section_cstart, $3  }
0x3e: {  	[dreg:$0x1] =	wrdreg $0xFFFFFFFF  }
0x3f: {  	_ =	task.clear_ibuf [dreg:s7], $0x2FFFF;
	_ =	strace $0x9FFFFFFF  }
0x40: {  	(tm) =	ssettm $0x7FFFFFFF  }
0x41: {  	_ =	shalt  }
tec
execute0_lowered:
.L_overlay_start_1:
0x0: {  	(tag) =	ssettag $0x1  }
0x1: {  	s4 =	rddreg [dreg:$0x0]  }
0x2: {  	s0 =	srdreg.scid;
	s2 =	rddreg [dreg:$0x1]  }
0x3: {  	s1 =	stileid.u32;
	s5 =	simm.s32 $0x1;
	s0 =	sshll.u32 s0, $0x4  }
0x4: {  	s7 =	simm.s32 $0x2;
	s11 =	simm.s32 $0x0;
	s3 =	sand.u32 $0x10, s0  }
.Ltmp0:
0x5: {  	p0 =	por $0x0, $0x0;
	s3 =	sor.u32 s1, s3;
	(pc) =	sbr.rel .LBB1_1-.Ltmp0, $4  }
0x6: {  	s8 =	simm.s32 $0x3D0A00;
	s10 =	simm.s32 $0x0;
	s3 =	sshll.u32 s3, $0x7  }
0x7: {  	s0 =	rddreg [dreg:$0x2];
	_ =	strace $0x80000047;
	s6 =	ssub.s32 $0xF4200, s3  }
0x8: {  	s4 =	sadd.s32 $0x1400, s4;
	[sflag:s5] =	ssyncpa.u1 $0x0;
	s6 =	sshrl.u32 s6, $0xC  }
0x9: {  	[sflag:s7] =	ssyncpa.u1 $0x0;
	s9 =	smov.u32 s3;
	s7 =	sadd.s32 $0x2, s6  }
.LBB1_5:
0xa: {  	s13 =	sadd.s32 $0x1000, s9  }
0xb: {  	p2 =	sgt.s32 s13, $0xF423F  }
0xc: {  	s13 =	smov.u32 @p2 s3;
	p2 =	sne.s32 s10, s7  }
.Ltmp1:
0xd: {  	p1 =	slt.u32 s10, $0x2;
	(pc) =	sbr.rel @!p2 .LBB1_6-.Ltmp1, $4  }
0xe: {  	s12 =	simm.s32 @!p1 $0x2  }
0xf: {  	s14 =	sadd.s32 $0x1, s10;
	_ =	swait.ge @!p1 [sflag:s12], $0x1000  }
0x10: {  	s11 =	smov.u32 s9;
	p0 =	por !p0, !p0;
	[sflag:s12] =	ssyncset.done @!p1 $0x0  }
0x11: {  	s10 =	smov.u32 s14;
	s9 =	smov.u32 s13;
	[sflag:s12] =	ssyncadd.s32 @!p1 $0xFFFFF000  }
.LBB1_1:
0x12: {  	p1 =	sgt.u32 s10, s6  }
0x13: {  	s14 =	smov.u32 s9;
	p2 =	sgt.s32 @!p1 s9, $0xF41C0  }
0x14: {  	s12 =	sand.u32 @!p1 $0x1FFFFFE, s9;
	s15 =	sshra.s32 @!p1 s9, $0x1F;
	p2 =	por !p2, p1  }
0x15: {  	s13 =	smulhi.u32 @!p1 $0x218DEF5, s12;
	s15 =	sand.u32 @!p1 s15, s9;
	s14 =	simm.s32 @p2 $0xF41C0  }
0x16: {  	s14 =	ssub.s32 @!p1 s14, s15  }
0x17: {  	s13 =	sshrl.u32 @!p1 s13, $0xD;
	s14 =	sadd.s32 @!p1 $0xFFF0BE40, s14  }
0x18: {  	s15 =	sxor.u32 @!p1 $0xFFFFFFFF, s10;
	s13 =	smul.u32 @!p1 $0xF4240, s13;
	s16 =	sshll.u32 @!p1 s14, $0x7  }
0x19: {  	p2 =	sgt.s32 @!p1 s14, $0x7F;
	s14 =	sshll.u32 @!p1 s15, $0xC;
	s15 =	simm.s32 @!p1 $0x40  }
0x1a: {  	s12 =	ssub.s32 @!p1 s12, s13;
	s13 =	ssub.s32 @!p1 $0x4000, s16;
	p2 =	por !p2, p1  }
0x1b: {  	s14 =	sand.u32 @!p1 $0x1000, s14;
	s13 =	sshrl.u32 @!p1 s13, $0x2;
	s12 =	sshll.u32 @!p1 s12, $0x3  }
0x1c: {  	s16 =	simm.s32 @!p1 $0x80;
	s13 =	simm.s32 @!p2 $0x0;
	s12 =	sadd.s32 @!p1 s4, s12  }
0x1d: {  	[tilespmem:s14], [sflag:$0x1] =	stream.strided.gather @!p1 [hbm4b:s12+s15], s13, s16, s15, $0x38;
	[tilespmem:$0x4040] =	vst v63  }
0x1e: {  	p1 =	seq.s32 s10, $0x0  }
0x1f: {  	p2 =	sge.u32 @!p1 s10, s7  }
0x20: {  	p1 =	por p1, p2  }
.Ltmp2:
0x21: {  	_ = 	snop;
	(pc) =	sbr.rel @p1 .LBB1_5-.Ltmp2, $1  }
0x22: {  	_ =	sdelay $0x3  }
0x23: {  	p1 =	sgt.s32 s11, $0xF41C0;
	s12 =	smov.u32 s11;
	s13 =	sshra.s32 s11, $0x1F  }
0x24: {  	s12 =	simm.s32 @!p1 $0xF41C0;
	s13 =	sand.u32 s13, s11  }
0x25: {  	s12 =	ssub.s32 s12, s13  }
0x26: {  	s12 =	sadd.s32 $0xFFF0BE40, s12  }
0x27: {  	s30 =	sshll.u32 s12, $0x7  }
0x28: {  	s13 =	ssub.s32 $0x4000, s30  }
0x29: {  	p1 =	sgt.s32 s12, $0x7F;
	s12 =	sshrl.u32 s13, $0x2  }
0x2a: {  	s13 =	simm.s32 $0x1;
	s12 =	simm.s32 @p1 $0x0  }
0x2b: {  	s13 =	simm.s32 @!p0 $0x0;
	_ =	swait.ge [sflag:s5], s12  }
0x2c: {  	s13 =	sshll.u32 s13, $0xC;
	s12 =	ssub.s32 $0x0, s12;
	[sflag:s5] =	ssyncset.done $0x0  }
0x2d: {  	s13 =	sor.u32 $0x20, s13;
	[sflag:s5] =	ssyncadd.s32 s12  }
0x2e: {  	v0 =	vld [tilespmem:s13+$0x10]  }
0x2f: {  	v1 =	vld [tilespmem:s13+$0xFFFFFFF0]  }
0x30: {  	v4 =	vld [tilespmem:s13+$0xFFFFFFE0]  }
0x31: {  	v3 =	vld [tilespmem:s13+$0x0];
	s13 =	sadd.s32 $0x40, s13  }
0x32: {  	s31 =	sand.u32 $0x1, s10;
	v5 =	vld [tilespmem:s13+$0x10]  }
0x33: {  	s12 =	smul.u32 $0x4080, s31  }
0x34: {  	s14 =	simm.s32 $0x0  }
0x35: {  	s15 =	sand.u32 $0x7C, s14;
	s12 =	sshrl.u32 s12, $0x2;
	v6 =	vld [tilespmem:s13+$0xFFFFFFE0];
	v2 =	vperm.xlane.i2c.b16 v1;
	v4 =	vperm.xlane.i2c.b16 v4  }
0x36: {  	s14 =	sand.u32 $0x80, s14;
	s16 =	sshrl.u32 s15, $0x1;
	s12 =	sor.u32 $0x2000, s12;
	v9 =	vperm.xlane.i2c.b16 v0;
	v10 =	vperm.xlane.i2c.b16 v3;
	v1 =	vld [tilespmem:s13+$0xFFFFFFF0]  }
0x37: {  	s15 =	simm.s32 $0x2;
	s14 =	sshrl.u32 s14, $0x1;
	s17 =	sadd.s32 s16, s12;
	v3 =	vld [tilespmem:s13+$0x0];
	v0 =	vperm.xlane.i2c.b16 v5;
	v7 =	vcombine.low v4, v2  }
0x38: {  	s16 =	sadd.s32 $0x40, s13;
	s13 =	sadd.s32 s14, s17;
	s14 =	simm.s32 $0x4;
	v8 =	vcombine.low v10, v9;
	v5 =	vcombine.high v10, v9  }
.LBB1_3:
0x39: {  	s15 =	sadd.s32 $0x2, s15  }
0x3a: {  	v9 =	vld [tilespmem:s16+$0x10];
	v10 =	vcombine.high v4, v2;
	[tilespmem:s13+$0x810 ss:$0x81] =	vst.msk $0xffff, v8;
	p1 =	slt.u32 s15, $0x7E  }
.Ltmp3:
0x3b: {  	v2 =	vperm.xlane.i2c.b16 v1;
	v1 =	vld [tilespmem:s16+$0xFFFFFFF0];
	[tilespmem:s13+$0x0 ss:$0x81] =	vst.msk $0xffff, v7;
	(pc) =	sbr.rel @p1 .LBB1_3-.Ltmp3, $4  }
0x3c: {  	s17 =	sand.u32 $0x7C, s14;
	v11 =	vperm.xlane.i2c.b16 v3;
	v4 =	vperm.xlane.i2c.b16 v6;
	v3 =	vld [tilespmem:s16+$0x0];
	[tilespmem:s13+$0x1 ss:$0x81] =	vst.msk $0xffff, v10  }
0x3d: {  	s18 =	sand.u32 $0x80, s14;
	s17 =	sshrl.u32 s17, $0x1;
	v6 =	vld [tilespmem:s16+$0xFFFFFFE0];
	[tilespmem:s13+$0x811 ss:$0x81] =	vst.msk $0xffff, v5  }
0x3e: {  	s13 =	sadd.s32 s17, s12;
	s17 =	sshrl.u32 s18, $0x1;
	v8 =	vcombine.low v11, v0;
	v7 =	vcombine.low v4, v2  }
0x3f: {  	s14 =	sadd.s32 $0x4, s14;
	s16 =	sadd.s32 $0x40, s16;
	v5 =	vcombine.high v11, v0;
	s13 =	sadd.s32 s17, s13;
	v0 =	vperm.xlane.i2c.b16 v9  }
0x40: {  	s15 =	sshll.u32 s11, $0x3;
	s26 =	sshll.u32 s11, $0x1  }
0x41: {  	s15 =	sand.u32 $0xFFFFFC00, s15;
	s11 =	sand.u32 $0xFE, s26  }
0x42: {  	s11 =	sor.u32 s11, s15  }
0x43: {  	s15 =	smulhi.u32 $0x218D6287, s11  }
0x44: {  	v2 =	vcombine.high v4, v2;
	[tilespmem:s13+$0x810 ss:$0x81] =	vst.msk $0xffff, v8;
	s16 =	sand.u32 $0x7C, s14;
	v3 =	vperm.xlane.i2c.b16 v3  }
0x45: {  	v1 =	vperm.xlane.i2c.b16 v1;
	[tilespmem:s13+$0x0 ss:$0x81] =	vst.msk $0xffff, v7;
	s27 =	sand.u32 $0x80, s14;
	s16 =	sshrl.u32 s16, $0x1;
	v60 =	vperm.xlane.i2c.b16 v6;
	s15 =	sshrl.u32 s15, $0x11  }
0x46: {  	s14 =	sshrl.u32 s27, $0x1;
	[tilespmem:s13+$0x811 ss:$0x81] =	vst.msk $0xffff, v5;
	s16 =	sadd.s32 s16, s12;
	v61 =	vcombine.low v3, v0;
	s17 =	smul.u32 $0xF4280, s15  }
0x47: {  	[tilespmem:s13+$0x1 ss:$0x81] =	vst.msk $0xffff, v2;
	s28 =	sadd.s32 s14, s16;
	v62 =	vcombine.low v60, v1  }
.Ltmp4:
0x48: {  	v63 =	vcombine.high v3, v0;
	[tilespmem:s28+$0x810 ss:$0x81] =	vst.msk $0xffff, v61;
	s29 =	sand.u32 $0x3F, s15;
	s11 =	ssub.s32 s11, s17;
	(pc) =	sbr.rel .LBB1_5-.Ltmp4, $4  }
0x49: {  	v1 =	vcombine.high v60, v1;
	[tilespmem:s28+$0x0 ss:$0x81] =	vst.msk $0xffff, v62;
	s14 =	smul.u32 $0xF428, s29;
	s30 =	sshrl.u32 s11, $0x4;
	s11 =	sshll.u32 s11, $0x11  }
0x4a: {  	[tilespmem:s28+$0x811 ss:$0x81] =	vst.msk $0xffff, v63;
	s15 =	sadd.s32 s2, s30;
	s11 =	sand.u32 $0x1C0000, s11  }
0x4b: {  	[tilespmem:s28+$0x1 ss:$0x81] =	vst.msk $0xffff, v1;
	s31 =	sadd.s32 s14, s15;
	s11 =	sor.u32 $0x200, s11  }
0x4c: {  	[hbm4b:s31+s11] =	stream.strided.scatter [tilespmem:s12], [sflag:$0x2], $0x1000, s8, s11, $0x20;
	[tilespmem:$0x4040] =	vst v63  }
.LBB1_6:
0x4d: {  	_ =	sfence.sel $0x180000  }
0x4e: {  	s2 =	simm.s32 $0x1;
	[bflag:$0x0] =	sbarrier.arrive $0xFFFF  }
0x4f: {  	s31 =	simm.s32 $0x2;
	[sflag:s2] =	ssyncpa.u1 $0x1  }
0x50: {  	[sflag:s31] =	ssyncpa.u1 $0x1  }
0x51: {  	p0 =	sne.s32 s1, $0x0;
	_ =	strace $0x90000047  }
0x52: {  	s0 =	sadd.s32 @!p0 $0x100000, s0;
	[bflag:$0x2] =	sbarrier.arrive $0xFFFF  }
0x53: {  	[sflag:s0] =	ssyncadd.tile.s32 @!p0 $0x1;
	_ =	shalt  }
.Lfunc_end1:
_tile_overlayer_lowered:
.L_overlay_start_2:
0x54: {  	(tag) =	ssettag $0x2  }
0x55: {  	s0 =	rddreg [dreg:$0x0];
	s2 =	stileid.u32  }
0x56: {  	s1 =	rddreg [dreg:$0x1];
	p0 =	sne.s32 s2, $0x0  }
0x57: {  	s3 =	rddreg [dreg:$0x2];
	[bflag:$0x3] =	sbarrier.arrive $0xFFFF;
	s2 =	simm.s32 @!p0 $0x1C01  }
0x58: {  	[timem:s3], [sflag:s2] =	dma.local @!p0 [hbm:s0], s1  }
0x59: {  	s0 =	simm.s32 @!p0 $0x1  }
0x5a: {  	_ =	swait.ge @!p0 [sflag:s0], s1  }
0x5b: {  	s1 =	ssub.s32 @!p0 $0x0, s1;
	[sflag:s0] =	ssyncset.done @!p0 $0x0  }
0x5c: {  	[sflag:s0] =	ssyncadd.s32 @!p0 s1  }
0x5d: {  	[bflag:$0x3] =	sbarrier.arrive $0xFFFF  }
0x5e: {  	_ =	shalt  }

</sc_bundles>
